<compile_context>
chip_gen: v7x
topology: tpu7x:2x2x1
jax: 0.10.2.dev20260603
libtpu: 0.0.44.dev20260713+nightly
codegen_flags: <defaults>
</compile_context>

<pallas_src>
import functools

import jax
import jax.numpy as jnp
from jax import lax
from jax.experimental import pallas as pl
from jax.experimental.pallas import tpu as pltpu
from jax.experimental.pallas import tpu_sc as plsc

N = 10000
E = 320000
HE = 2000
D = 128
NC = 2
NS = 16
NW = NC * NS
B = 125
CE = E // NW
NBLK = CE // B
NP = 10240
HEP = 2048

_SQRT_HALF = 0.7071067811865476


def _gelu(v):
    return 0.5 * v * (1.0 + lax.erf(v * _SQRT_HALF))


def _matmul_t(x, w):
    return lax.dot_general(x, w, (((1,), (1,)), ((), ())),
                           preferred_element_type=jnp.float32)


def _msg_body(x_ref, a_ref, w_ref, out_ref):
    x = x_ref[...]
    send = a_ref[:, 0:1] + a_ref[:, 2:3]
    out_ref[...] = _gelu(_matmul_t(x, w_ref[...])) * send


def _colsum(part):
    ones = jnp.ones((NW, 1), jnp.float32)
    return lax.dot_general(part, ones, (((0,), (0,)), ((), ())),
                           preferred_element_type=jnp.float32)


def _edge_body(p_ref, dege_ref, degv_ref, out_ref, degv_col_ref):
    s = p_ref[:HEP, :] + p_ref[HEP:, :]
    deg = jnp.maximum(_colsum(dege_ref[...]), 1.0)
    out_ref[...] = s / deg
    degv_col_ref[...] = _colsum(degv_ref[...])


def _upd_body(x_ref, a_ref, w_ref, b_ref, m0_ref, m1_ref, degv_ref, out_ref):
    x = x_ref[...]
    recv = a_ref[:, 0:1] + a_ref[:, 1:2]
    deg = jnp.maximum(degv_ref[...], 1.0)
    mi = (m0_ref[0] + m1_ref[0]) * (recv / deg)
    u = _matmul_t(x, w_ref[...]) + b_ref[...]
    out_ref[...] = _gelu(u + mi)


def _stream_loop(table, idxg_v, idxs_v, buf0, buf1, acc, sem0, sem1,
                 nblk, hist_fn=None):

    def gather(i, buf, sem):
        return pltpu.make_async_copy(table.at[idxg_v.at[i]], buf, sem)

    gather(0, buf0, sem0).start()
    gather(1, buf1, sem1).start()

    def step(t, carry):
        i = 2 * t
        if hist_fn is not None:
            hist_fn(t)
        gather(i, buf0, sem0).wait()
        pltpu.sync_copy(buf0, acc.at[idxs_v.at[i]], add=True)
        gather(i + 2, buf0, sem0).start()
        gather(i + 1, buf1, sem1).wait()
        pltpu.sync_copy(buf1, acc.at[idxs_v.at[i + 1]], add=True)
        gather(i + 3, buf1, sem1).start()
        return carry

    lax.fori_loop(0, (nblk - 2) // 2, step, 0)
    i = nblk - 2
    gather(i, buf0, sem0).wait()
    pltpu.sync_copy(buf0, acc.at[idxs_v.at[i]], add=True)
    gather(i + 1, buf1, sem1).wait()
    pltpu.sync_copy(buf1, acc.at[idxs_v.at[i + 1]], add=True)


def _dump_acc(acc, out, acc_rows, core, sub):
    nz = acc_rows // NS
    plsc.subcore_barrier()
    pltpu.sync_copy(acc.at[pl.ds(sub * nz, nz)],
                    out.at[pl.ds(core * acc_rows + sub * nz, nz)])


def _hist_vreg(idx1, hist, o):
    v = idx1[pl.ds(o, 16)]
    cnt, last = plsc.scan_count(v)
    plsc.addupdate_scatter(hist, [v], cnt.astype(jnp.float32), mask=last)


def _mesh():
    return plsc.VectorSubcoreMesh(core_axis_name="c", subcore_axis_name="s",
                                  num_cores=NC, num_subcores=NS)


_SC_PARAMS = pltpu.CompilerParams(needs_layout_passes=False,
                                  disable_bounds_checks=True,
                                  disable_semaphore_checks=True,
                                  skip_device_barrier=True)


@functools.lru_cache(maxsize=None)
def _make_sc_v2e():
    def body(table, idx_g, idx_s, flat_g, flat_s, zrows, zflat,
             out, degv_out, dege_out,
             idxg_v, idxs_v, buf0, buf1, idxg1, idxs1, hist_v, hist_e,
             acc, sem0, sem1):
        c = lax.axis_index("c")
        s = lax.axis_index("s")
        wid = s * NC + c
        row0 = wid * NBLK
        nz = HEP // NS
        pltpu.sync_copy(idx_g.at[pl.ds(row0, NBLK)], idxg_v)
        pltpu.sync_copy(idx_s.at[pl.ds(row0, NBLK)], idxs_v)
        pltpu.sync_copy(flat_g.at[pl.ds(wid * CE, CE)], idxg1)
        pltpu.sync_copy(flat_s.at[pl.ds(wid * CE, CE)], idxs1)
        pltpu.sync_copy(zflat.at[pl.ds(0, N)], hist_v)
        pltpu.sync_copy(zflat.at[pl.ds(0, HEP)], hist_e)
        pltpu.sync_copy(zrows.at[pl.ds(0, nz)], acc.at[pl.ds(s * nz, nz)])
        plsc.subcore_barrier()

        def hist_fn(t):
            base = pl.multiple_of(t * 256, 16)
            for j in range(16):
                _hist_vreg(idxg1, hist_v, base + j * 16)
                _hist_vreg(idxs1, hist_e, base + j * 16)

        _stream_loop(table, idxg_v, idxs_v, buf0, buf1, acc, sem0, sem1,
                     NBLK, hist_fn)
        for r in range(((NBLK - 2) // 2) * 16, CE // 16):
            _hist_vreg(idxg1, hist_v, r * 16)
            _hist_vreg(idxs1, hist_e, r * 16)
        pltpu.sync_copy(hist_v, degv_out.at[wid])
        pltpu.sync_copy(hist_e, dege_out.at[wid])
        _dump_acc(acc, out, HEP, c, s)

    return pl.kernel(
        body,
        out_type=(
            jax.ShapeDtypeStruct((NC * HEP, D), jnp.float32),
            jax.ShapeDtypeStruct((NW, N), jnp.float32),
            jax.ShapeDtypeStruct((NW, HEP), jnp.float32),
        ),
        mesh=_mesh(),
        compiler_params=_SC_PARAMS,
        scratch_types=[
            pltpu.VMEM((NBLK, B), jnp.int32),
            pltpu.VMEM((NBLK, B), jnp.int32),
            pltpu.VMEM((B, D), jnp.float32),
            pltpu.VMEM((B, D), jnp.float32),
            pltpu.VMEM((CE,), jnp.int32),
            pltpu.VMEM((CE,), jnp.int32),
            pltpu.VMEM((N,), jnp.float32),
            pltpu.VMEM((HEP,), jnp.float32),
            pltpu.VMEM_SHARED((HEP, D), jnp.float32),
            pltpu.SemaphoreType.DMA,
            pltpu.SemaphoreType.DMA,
        ],
    )


_HBLK = NBLK // 2


@functools.lru_cache(maxsize=None)
def _make_sc_e2v():
    def body(table, idx_g, idx_s, zrows,
             out,
             idxg_v, idxs_v, buf0, buf1, acc, sem0, sem1):
        c = lax.axis_index("c")
        s = lax.axis_index("s")
        wid = s * NC + c
        row0 = wid * NBLK
        nz = NP // NS
        pltpu.sync_copy(zrows, acc.at[pl.ds(s * nz, nz)])
        plsc.subcore_barrier()
        for h in range(2):
            pltpu.sync_copy(idx_g.at[pl.ds(row0 + h * _HBLK, _HBLK)], idxg_v)
            pltpu.sync_copy(idx_s.at[pl.ds(row0 + h * _HBLK, _HBLK)], idxs_v)
            _stream_loop(table, idxg_v, idxs_v, buf0, buf1, acc,
                         sem0, sem1, _HBLK)
        plsc.subcore_barrier()
        pltpu.sync_copy(acc.at[pl.ds(s * nz, nz)],
                        out.at[c, pl.ds(s * nz, nz)])

    return pl.kernel(
        body,
        out_type=jax.ShapeDtypeStruct((NC, NP, D), jnp.float32),
        mesh=_mesh(),
        compiler_params=_SC_PARAMS,
        scratch_types=[
            pltpu.VMEM((_HBLK, B), jnp.int32),
            pltpu.VMEM((_HBLK, B), jnp.int32),
            pltpu.VMEM((B, D), jnp.float32),
            pltpu.VMEM((B, D), jnp.float32),
            pltpu.VMEM_SHARED((NP, D), jnp.float32),
            pltpu.SemaphoreType.DMA,
            pltpu.SemaphoreType.DMA,
        ],
    )


_BN = 1000


def kernel(x, action, pair_v, pair_e, W_msg, W_upd, b_upd):
    idx_v = pair_v.reshape(E // B, B)
    idx_e = pair_e.reshape(E // B, B)
    zrows = jnp.zeros((NP // NS, D), jnp.float32)
    zflat = jnp.zeros((N,), jnp.float32)
    grid = (N // _BN,)

    m = pl.pallas_call(
        _msg_body,
        grid=grid,
        in_specs=[
            pl.BlockSpec((_BN, D), lambda i: (i, 0)),
            pl.BlockSpec((_BN, 3), lambda i: (i, 0)),
            pl.BlockSpec((D, D), lambda i: (0, 0)),
        ],
        out_specs=pl.BlockSpec((_BN, D), lambda i: (i, 0)),
        out_shape=jax.ShapeDtypeStruct((N, D), jnp.float32),
    )(x, action, W_msg)

    e_part, degv_part, dege_part = _make_sc_v2e()(
        m, idx_v, idx_e, pair_v, pair_e, zrows, zflat)

    e_feat, degv_col = pl.pallas_call(
        _edge_body,
        out_shape=(jax.ShapeDtypeStruct((HEP, D), jnp.float32),
                   jax.ShapeDtypeStruct((N, 1), jnp.float32)),
    )(e_part, dege_part, degv_part)

    m_part = _make_sc_e2v()(e_feat, idx_e, idx_v, zrows)

    h = pl.pallas_call(
        _upd_body,
        grid=grid,
        in_specs=[
            pl.BlockSpec((_BN, D), lambda i: (i, 0)),
            pl.BlockSpec((_BN, 3), lambda i: (i, 0)),
            pl.BlockSpec((D, D), lambda i: (0, 0)),
            pl.BlockSpec((1, D), lambda i: (0, 0)),
            pl.BlockSpec((1, _BN, D), lambda i: (0, i, 0)),
            pl.BlockSpec((1, _BN, D), lambda i: (1, i, 0)),
            pl.BlockSpec((_BN, 1), lambda i: (i, 0)),
        ],
        out_specs=pl.BlockSpec((_BN, D), lambda i: (i, 0)),
        out_shape=jax.ShapeDtypeStruct((N, D), jnp.float32),
    )(x, action, W_upd, b_upd.reshape(1, D), m_part, m_part, degv_col)

    return h

# --- scband reference (transcript-rebuilt; emitter-appended) ---
"""Pipeline reference for scband-environment-network-50749333569732 (READ-ONLY COPY).

The authoritative reference and input builder live on the scoring server;
editing this copy changes nothing except your own understanding.
"""

import jax, jax.numpy as jnp
import numpy as np

N = 10000
E = 320000
HE = 2000
D = 128


def setup_inputs(seed: int = 0) -> dict:
    key = jax.random.key(seed)
    k1, k2, k3, k4, k5, k6 = jax.random.split(key, 6)
    x = jax.random.normal(k1, (N, D), dtype=jnp.float32)
    action = jax.random.uniform(k2, (N, 3), dtype=jnp.float32)
    pair_v = jax.random.randint(k3, (E,), 0, N, dtype=jnp.int32)
    pair_e = jax.random.randint(k4, (E,), 0, HE, dtype=jnp.int32)
    W_msg = jax.random.normal(k5, (D, D), dtype=jnp.float32) * 0.02
    W_upd = jax.random.normal(k6, (D, D), dtype=jnp.float32) * 0.02
    b_upd = jnp.zeros((D,), dtype=jnp.float32)
    return {"x": x, "action": action, "pair_v": pair_v, "pair_e": pair_e,
            "W_msg": W_msg, "W_upd": W_upd, "b_upd": b_upd}


def reference(x, action, pair_v, pair_e, W_msg, W_upd, b_upd):
    # action gating coefficients
    send = action[:, 0] + action[:, 2]
    receive = action[:, 0] + action[:, 1]
    # message transform (nn.Linear, no bias): y = x @ W^T
    m_ji = x @ W_msg.T
    # dropout is identity in eval mode
    m_ji = jax.nn.gelu(m_ji, approximate=False)
    m_ji = m_ji * send[:, None]
    # Hypergraph v2v with mean aggregation: v -> e (mean), then e -> v (mean)
    ones = jnp.ones((E,), dtype=jnp.float32)
    deg_e = jax.ops.segment_sum(ones, pair_e, num_segments=HE)
    deg_e = jnp.maximum(deg_e, 1.0)
    e_feat = jax.ops.segment_sum(m_ji[pair_v], pair_e, num_segments=HE)
    e_feat = e_feat / deg_e[:, None]
    deg_v = jax.ops.segment_sum(ones, pair_v, num_segments=N)
    deg_v = jnp.maximum(deg_v, 1.0)
    m_i = jax.ops.segment_sum(e_feat[pair_e], pair_v, num_segments=N)
    m_i = m_i / deg_v[:, None]
    m_i = m_i * receive[:, None]
    # update transform (nn.Linear with bias)
    h_i = jax.nn.gelu(x @ W_upd.T + b_upd + m_i, approximate=False)
    return h_i

if __name__ == "__main__":
    import jax
    _d = setup_inputs()
    print(jax.jit(kernel)(*tuple(_d.values())))

</pallas_src>

<mosaic_0001>
#map = affine_map<(d0, d1) -> (0, 0)>
#map1 = affine_map<(d0, d1) -> (0, 0, 0)>
module attributes {stable_mosaic.version = 14 : i64} {
  func.func @body(%arg0: i32, %arg1: i32, %arg2: memref<2048x128xf32, #tpu.memory_space<hbm>>, %arg3: memref<2560x125xi32, #tpu.memory_space<hbm>>, %arg4: memref<2560x125xi32, #tpu.memory_space<hbm>>, %arg5: memref<640x128xf32, #tpu.memory_space<hbm>>, %arg6: memref<2x10240x128xf32, #tpu.memory_space<hbm>>, %arg7: memref<40x125xi32, #tpu.memory_space<vmem>>, %arg8: memref<40x125xi32, #tpu.memory_space<vmem>>, %arg9: memref<125x128xf32, #tpu.memory_space<vmem>>, %arg10: memref<125x128xf32, #tpu.memory_space<vmem>>, %arg11: memref<10240x128xf32, #tpu.memory_space<vmem_shared>>, %arg12: memref<!tpu.dma_semaphore, #tpu.memory_space<semaphore_mem>>, %arg13: memref<!tpu.dma_semaphore, #tpu.memory_space<semaphore_mem>>) attributes {dimension_semantics = [#tpu.dimension_semantics<core_parallel>, #tpu.dimension_semantics<subcore_parallel>], iteration_bounds = array<i64: 2, 16>, scalar_prefetch = 0 : i64, scratch_operands = 7 : i64, tpu.core_type = #tpu.core_type<sc_vector_subcore>, window_params = [{transform_indices = #map}, {transform_indices = #map}, {transform_indices = #map}, {transform_indices = #map}, {transform_indices = #map1}]} {
    %mul3A = arith.constant 2 : i32
    %mul3A_0 = arith.muli %arg1, %mul3A : i32
    %add3A = arith.addi %mul3A_0, %arg0 : i32
    %mul3A_1 = arith.constant 80 : i32
    %mul3A_2 = arith.muli %add3A, %mul3A_1 : i32
    %mul3A_3 = arith.constant 640 : i32
    %mul3A_4 = arith.muli %arg1, %mul3A_3 : i32
    "tpu.region"() ({
      %run_scoped3A_86 = tpu.sem_alloc : memref<!tpu.dma_semaphore, #tpu.memory_space<semaphore_mem>>
      %dma_start3A_87 = arith.constant 0 : i32
      %dma_start3A_88 = tpu.memref_slice %arg11[%mul3A_4, %dma_start3A_87] : memref<10240x128xf32, #tpu.memory_space<vmem_shared>> -> memref<640x128xf32, #tpu.memory_space<vmem_shared>>
      tpu.enqueue_dma source(%arg5 : memref<640x128xf32, #tpu.memory_space<hbm>>) target(%dma_start3A_88 : memref<640x128xf32, #tpu.memory_space<vmem_shared>>) target_semaphore(%run_scoped3A_86 : memref<!tpu.dma_semaphore, #tpu.memory_space<semaphore_mem>>)
      %dma_wait3A_89 = arith.constant 0 : i32
      %dma_wait3A_90 = tpu.memref_slice %arg11[%mul3A_4, %dma_wait3A_89] : memref<10240x128xf32, #tpu.memory_space<vmem_shared>> -> memref<640x128xf32, #tpu.memory_space<vmem_shared>>
      tpu.wait_dma2 semaphore(%run_scoped3A_86 : memref<!tpu.dma_semaphore, #tpu.memory_space<semaphore_mem>>) src(%arg5 : memref<640x128xf32, #tpu.memory_space<hbm>>) dst(%dma_wait3A_90 : memref<640x128xf32, #tpu.memory_space<vmem_shared>>)
      tpu.yield
    }) : () -> ()
    %barrier3A = arith.constant 0 : index
    tpu.barrier barrier_id(%barrier3A)
    %add3A_5 = arith.constant 0 : i32
    %add3A_6 = arith.addi %mul3A_2, %add3A_5 : i32
    "tpu.region"() ({
      %run_scoped3A_86 = tpu.sem_alloc : memref<!tpu.dma_semaphore, #tpu.memory_space<semaphore_mem>>
      %dma_start3A_87 = arith.constant 0 : i32
      %dma_start3A_88 = tpu.memref_slice %arg3[%add3A_6, %dma_start3A_87] : memref<2560x125xi32, #tpu.memory_space<hbm>> -> memref<40x125xi32, #tpu.memory_space<hbm>>
      %dma_start3A_89 = arith.constant 0 : i32
      %dma_start3A_90 = tpu.memref_slice %arg3[%add3A_6, %dma_start3A_89] : memref<2560x125xi32, #tpu.memory_space<hbm>> -> memref<40x125xi32, #tpu.memory_space<hbm>>
      tpu.enqueue_dma source(%dma_start3A_90 : memref<40x125xi32, #tpu.memory_space<hbm>>) target(%arg7 : memref<40x125xi32, #tpu.memory_space<vmem>>) target_semaphore(%run_scoped3A_86 : memref<!tpu.dma_semaphore, #tpu.memory_space<semaphore_mem>>)
      %dma_wait3A_91 = arith.constant 0 : i32
      %dma_wait3A_92 = tpu.memref_slice %arg3[%add3A_6, %dma_wait3A_91] : memref<2560x125xi32, #tpu.memory_space<hbm>> -> memref<40x125xi32, #tpu.memory_space<hbm>>
      %dma_wait3A_93 = arith.constant 0 : i32
      %dma_wait3A_94 = tpu.memref_slice %arg3[%add3A_6, %dma_wait3A_93] : memref<2560x125xi32, #tpu.memory_space<hbm>> -> memref<40x125xi32, #tpu.memory_space<hbm>>
      tpu.wait_dma2 semaphore(%run_scoped3A_86 : memref<!tpu.dma_semaphore, #tpu.memory_space<semaphore_mem>>) src(%dma_wait3A_94 : memref<40x125xi32, #tpu.memory_space<hbm>>) dst(%arg7 : memref<40x125xi32, #tpu.memory_space<vmem>>)
      tpu.yield
    }) : () -> ()
    %add3A_7 = arith.constant 0 : i32
    %add3A_8 = arith.addi %mul3A_2, %add3A_7 : i32
    "tpu.region"() ({
      %run_scoped3A_86 = tpu.sem_alloc : memref<!tpu.dma_semaphore, #tpu.memory_space<semaphore_mem>>
      %dma_start3A_87 = arith.constant 0 : i32
      %dma_start3A_88 = tpu.memref_slice %arg4[%add3A_8, %dma_start3A_87] : memref<2560x125xi32, #tpu.memory_space<hbm>> -> memref<40x125xi32, #tpu.memory_space<hbm>>
      %dma_start3A_89 = arith.constant 0 : i32
      %dma_start3A_90 = tpu.memref_slice %arg4[%add3A_8, %dma_start3A_89] : memref<2560x125xi32, #tpu.memory_space<hbm>> -> memref<40x125xi32, #tpu.memory_space<hbm>>
      tpu.enqueue_dma source(%dma_start3A_90 : memref<40x125xi32, #tpu.memory_space<hbm>>) target(%arg8 : memref<40x125xi32, #tpu.memory_space<vmem>>) target_semaphore(%run_scoped3A_86 : memref<!tpu.dma_semaphore, #tpu.memory_space<semaphore_mem>>)
      %dma_wait3A_91 = arith.constant 0 : i32
      %dma_wait3A_92 = tpu.memref_slice %arg4[%add3A_8, %dma_wait3A_91] : memref<2560x125xi32, #tpu.memory_space<hbm>> -> memref<40x125xi32, #tpu.memory_space<hbm>>
      %dma_wait3A_93 = arith.constant 0 : i32
      %dma_wait3A_94 = tpu.memref_slice %arg4[%add3A_8, %dma_wait3A_93] : memref<2560x125xi32, #tpu.memory_space<hbm>> -> memref<40x125xi32, #tpu.memory_space<hbm>>
      tpu.wait_dma2 semaphore(%run_scoped3A_86 : memref<!tpu.dma_semaphore, #tpu.memory_space<semaphore_mem>>) src(%dma_wait3A_94 : memref<40x125xi32, #tpu.memory_space<hbm>>) dst(%arg8 : memref<40x125xi32, #tpu.memory_space<vmem>>)
      tpu.yield
    }) : () -> ()
    %dma_start3A = arith.constant 0 : i32
    %dma_start3A_9 = arith.constant 0 : i32
    %dma_start3A_10 = tpu.memref_slice %arg7[%dma_start3A, %dma_start3A_9] : memref<40x125xi32, #tpu.memory_space<vmem>> -> memref<1x125xi32, #tpu.memory_space<vmem>>
    %dma_start3A_11 = tpu.memref_squeeze %dma_start3A_10 : memref<1x125xi32, #tpu.memory_space<vmem>> -> memref<125xi32, #tpu.memory_space<vmem>>
    %dma_start3A_12 = arith.constant 0 : i32
    %dma_start3A_13 = arith.constant 0 : i32
    %dma_start3A_14 = tpu.memref_slice %arg2[%dma_start3A_12, %dma_start3A_13] : memref<2048x128xf32, #tpu.memory_space<hbm>> -> memref<2048x128xf32, #tpu.memory_space<hbm>>
    tpu.enqueue_indirect_dma source(%dma_start3A_14 : memref<2048x128xf32, #tpu.memory_space<hbm>>) target(%arg9 : memref<125x128xf32, #tpu.memory_space<vmem>>) offsets(%dma_start3A_11 : memref<125xi32, #tpu.memory_space<vmem>>) semaphore(%arg12 : memref<!tpu.dma_semaphore, #tpu.memory_space<semaphore_mem>>)
    %dma_start3A_15 = arith.constant 1 : i32
    %dma_start3A_16 = arith.constant 0 : i32
    %dma_start3A_17 = tpu.memref_slice %arg7[%dma_start3A_15, %dma_start3A_16] : memref<40x125xi32, #tpu.memory_space<vmem>> -> memref<1x125xi32, #tpu.memory_space<vmem>>
    %dma_start3A_18 = tpu.memref_squeeze %dma_start3A_17 : memref<1x125xi32, #tpu.memory_space<vmem>> -> memref<125xi32, #tpu.memory_space<vmem>>
    %dma_start3A_19 = arith.constant 0 : i32
    %dma_start3A_20 = arith.constant 0 : i32
    %dma_start3A_21 = tpu.memref_slice %arg2[%dma_start3A_19, %dma_start3A_20] : memref<2048x128xf32, #tpu.memory_space<hbm>> -> memref<2048x128xf32, #tpu.memory_space<hbm>>
    tpu.enqueue_indirect_dma source(%dma_start3A_21 : memref<2048x128xf32, #tpu.memory_space<hbm>>) target(%arg10 : memref<125x128xf32, #tpu.memory_space<vmem>>) offsets(%dma_start3A_18 : memref<125xi32, #tpu.memory_space<vmem>>) semaphore(%arg13 : memref<!tpu.dma_semaphore, #tpu.memory_space<semaphore_mem>>)
    %scan3A = arith.constant 0 : i32
    %scan3A_22 = arith.constant 0 : i32
    %scan3A_23 = arith.constant 19 : i32
    %scan3A_24 = arith.addi %scan3A_22, %scan3A_23 : i32
    %scan3A_25 = arith.constant 1 : i32
    scf.for %scan3A_86 = %scan3A_22 to %scan3A_24 step %scan3A_25  : i32 {
      %mul3A_87 = arith.constant 2 : i32
      %mul3A_88 = arith.muli %mul3A_87, %scan3A_86 : i32
      %dma_wait3A_89 = arith.constant 0 : i32
      %dma_wait3A_90 = tpu.memref_slice %arg7[%mul3A_88, %dma_wait3A_89] : memref<40x125xi32, #tpu.memory_space<vmem>> -> memref<1x125xi32, #tpu.memory_space<vmem>>
      %dma_wait3A_91 = tpu.memref_squeeze %dma_wait3A_90 : memref<1x125xi32, #tpu.memory_space<vmem>> -> memref<125xi32, #tpu.memory_space<vmem>>
      %dma_wait3A_92 = arith.constant 0 : i32
      %dma_wait3A_93 = arith.constant 0 : i32
      %dma_wait3A_94 = tpu.memref_slice %arg2[%dma_wait3A_92, %dma_wait3A_93] : memref<2048x128xf32, #tpu.memory_space<hbm>> -> memref<2048x128xf32, #tpu.memory_space<hbm>>
      tpu.wait_indirect_dma semaphore(%arg12 : memref<!tpu.dma_semaphore, #tpu.memory_space<semaphore_mem>>) src(%dma_wait3A_94 : memref<2048x128xf32, #tpu.memory_space<hbm>>) dst(%arg9 : memref<125x128xf32, #tpu.memory_space<vmem>>)
      "tpu.region"() ({
        %run_scoped3A_121 = tpu.sem_alloc : memref<!tpu.dma_semaphore, #tpu.memory_space<semaphore_mem>>
        %dma_start3A_122 = arith.constant 0 : i32
        %dma_start3A_123 = tpu.memref_slice %arg8[%mul3A_88, %dma_start3A_122] : memref<40x125xi32, #tpu.memory_space<vmem>> -> memref<1x125xi32, #tpu.memory_space<vmem>>
        %dma_start3A_124 = tpu.memref_squeeze %dma_start3A_123 : memref<1x125xi32, #tpu.memory_space<vmem>> -> memref<125xi32, #tpu.memory_space<vmem>>
        %dma_start3A_125 = arith.constant 0 : i32
        %dma_start3A_126 = arith.constant 0 : i32
        %dma_start3A_127 = tpu.memref_slice %arg11[%dma_start3A_125, %dma_start3A_126] : memref<10240x128xf32, #tpu.memory_space<vmem_shared>> -> memref<10240x128xf32, #tpu.memory_space<vmem_shared>>
        tpu.enqueue_indirect_dma source(%arg9 : memref<125x128xf32, #tpu.memory_space<vmem>>) target(%dma_start3A_127 : memref<10240x128xf32, #tpu.memory_space<vmem_shared>>) offsets(%dma_start3A_124 : memref<125xi32, #tpu.memory_space<vmem>>) semaphore(%run_scoped3A_121 : memref<!tpu.dma_semaphore, #tpu.memory_space<semaphore_mem>>) {add = true}
        %dma_wait3A_128 = arith.constant 0 : i32
        %dma_wait3A_129 = tpu.memref_slice %arg8[%mul3A_88, %dma_wait3A_128] : memref<40x125xi32, #tpu.memory_space<vmem>> -> memref<1x125xi32, #tpu.memory_space<vmem>>
        %dma_wait3A_130 = tpu.memref_squeeze %dma_wait3A_129 : memref<1x125xi32, #tpu.memory_space<vmem>> -> memref<125xi32, #tpu.memory_space<vmem>>
        %dma_wait3A_131 = arith.constant 0 : i32
        %dma_wait3A_132 = arith.constant 0 : i32
        %dma_wait3A_133 = tpu.memref_slice %arg11[%dma_wait3A_131, %dma_wait3A_132] : memref<10240x128xf32, #tpu.memory_space<vmem_shared>> -> memref<10240x128xf32, #tpu.memory_space<vmem_shared>>
        tpu.wait_indirect_dma semaphore(%run_scoped3A_121 : memref<!tpu.dma_semaphore, #tpu.memory_space<semaphore_mem>>) src(%arg9 : memref<125x128xf32, #tpu.memory_space<vmem>>) dst(%dma_wait3A_133 : memref<10240x128xf32, #tpu.memory_space<vmem_shared>>)
        tpu.yield
      }) : () -> ()
      %add3A_95 = arith.constant 2 : i32
      %add3A_96 = arith.addi %mul3A_88, %add3A_95 : i32
      %dma_start3A_97 = arith.constant 0 : i32
      %dma_start3A_98 = tpu.memref_slice %arg7[%add3A_96, %dma_start3A_97] : memref<40x125xi32, #tpu.memory_space<vmem>> -> memref<1x125xi32, #tpu.memory_space<vmem>>
      %dma_start3A_99 = tpu.memref_squeeze %dma_start3A_98 : memref<1x125xi32, #tpu.memory_space<vmem>> -> memref<125xi32, #tpu.memory_space<vmem>>
      %dma_start3A_100 = arith.constant 0 : i32
      %dma_start3A_101 = arith.constant 0 : i32
      %dma_start3A_102 = tpu.memref_slice %arg2[%dma_start3A_100, %dma_start3A_101] : memref<2048x128xf32, #tpu.memory_space<hbm>> -> memref<2048x128xf32, #tpu.memory_space<hbm>>
      tpu.enqueue_indirect_dma source(%dma_start3A_102 : memref<2048x128xf32, #tpu.memory_space<hbm>>) target(%arg9 : memref<125x128xf32, #tpu.memory_space<vmem>>) offsets(%dma_start3A_99 : memref<125xi32, #tpu.memory_space<vmem>>) semaphore(%arg12 : memref<!tpu.dma_semaphore, #tpu.memory_space<semaphore_mem>>)
      %add3A_103 = arith.constant 1 : i32
      %add3A_104 = arith.addi %mul3A_88, %add3A_103 : i32
      %dma_wait3A_105 = arith.constant 0 : i32
      %dma_wait3A_106 = tpu.memref_slice %arg7[%add3A_104, %dma_wait3A_105] : memref<40x125xi32, #tpu.memory_space<vmem>> -> memref<1x125xi32, #tpu.memory_space<vmem>>
      %dma_wait3A_107 = tpu.memref_squeeze %dma_wait3A_106 : memref<1x125xi32, #tpu.memory_space<vmem>> -> memref<125xi32, #tpu.memory_space<vmem>>
      %dma_wait3A_108 = arith.constant 0 : i32
      %dma_wait3A_109 = arith.constant 0 : i32
      %dma_wait3A_110 = tpu.memref_slice %arg2[%dma_wait3A_108, %dma_wait3A_109] : memref<2048x128xf32, #tpu.memory_space<hbm>> -> memref<2048x128xf32, #tpu.memory_space<hbm>>
      tpu.wait_indirect_dma semaphore(%arg13 : memref<!tpu.dma_semaphore, #tpu.memory_space<semaphore_mem>>) src(%dma_wait3A_110 : memref<2048x128xf32, #tpu.memory_space<hbm>>) dst(%arg10 : memref<125x128xf32, #tpu.memory_space<vmem>>)
      %add3A_111 = arith.constant 1 : i32
      %add3A_112 = arith.addi %mul3A_88, %add3A_111 : i32
      "tpu.region"() ({
        %run_scoped3A_121 = tpu.sem_alloc : memref<!tpu.dma_semaphore, #tpu.memory_space<semaphore_mem>>
        %dma_start3A_122 = arith.constant 0 : i32
        %dma_start3A_123 = tpu.memref_slice %arg8[%add3A_112, %dma_start3A_122] : memref<40x125xi32, #tpu.memory_space<vmem>> -> memref<1x125xi32, #tpu.memory_space<vmem>>
        %dma_start3A_124 = tpu.memref_squeeze %dma_start3A_123 : memref<1x125xi32, #tpu.memory_space<vmem>> -> memref<125xi32, #tpu.memory_space<vmem>>
        %dma_start3A_125 = arith.constant 0 : i32
        %dma_start3A_126 = arith.constant 0 : i32
        %dma_start3A_127 = tpu.memref_slice %arg11[%dma_start3A_125, %dma_start3A_126] : memref<10240x128xf32, #tpu.memory_space<vmem_shared>> -> memref<10240x128xf32, #tpu.memory_space<vmem_shared>>
        tpu.enqueue_indirect_dma source(%arg10 : memref<125x128xf32, #tpu.memory_space<vmem>>) target(%dma_start3A_127 : memref<10240x128xf32, #tpu.memory_space<vmem_shared>>) offsets(%dma_start3A_124 : memref<125xi32, #tpu.memory_space<vmem>>) semaphore(%run_scoped3A_121 : memref<!tpu.dma_semaphore, #tpu.memory_space<semaphore_mem>>) {add = true}
        %dma_wait3A_128 = arith.constant 0 : i32
        %dma_wait3A_129 = tpu.memref_slice %arg8[%add3A_112, %dma_wait3A_128] : memref<40x125xi32, #tpu.memory_space<vmem>> -> memref<1x125xi32, #tpu.memory_space<vmem>>
        %dma_wait3A_130 = tpu.memref_squeeze %dma_wait3A_129 : memref<1x125xi32, #tpu.memory_space<vmem>> -> memref<125xi32, #tpu.memory_space<vmem>>
        %dma_wait3A_131 = arith.constant 0 : i32
        %dma_wait3A_132 = arith.constant 0 : i32
        %dma_wait3A_133 = tpu.memref_slice %arg11[%dma_wait3A_131, %dma_wait3A_132] : memref<10240x128xf32, #tpu.memory_space<vmem_shared>> -> memref<10240x128xf32, #tpu.memory_space<vmem_shared>>
        tpu.wait_indirect_dma semaphore(%run_scoped3A_121 : memref<!tpu.dma_semaphore, #tpu.memory_space<semaphore_mem>>) src(%arg10 : memref<125x128xf32, #tpu.memory_space<vmem>>) dst(%dma_wait3A_133 : memref<10240x128xf32, #tpu.memory_space<vmem_shared>>)
        tpu.yield
      }) : () -> ()
      %add3A_113 = arith.constant 3 : i32
      %add3A_114 = arith.addi %mul3A_88, %add3A_113 : i32
      %dma_start3A_115 = arith.constant 0 : i32
      %dma_start3A_116 = tpu.memref_slice %arg7[%add3A_114, %dma_start3A_115] : memref<40x125xi32, #tpu.memory_space<vmem>> -> memref<1x125xi32, #tpu.memory_space<vmem>>
      %dma_start3A_117 = tpu.memref_squeeze %dma_start3A_116 : memref<1x125xi32, #tpu.memory_space<vmem>> -> memref<125xi32, #tpu.memory_space<vmem>>
      %dma_start3A_118 = arith.constant 0 : i32
      %dma_start3A_119 = arith.constant 0 : i32
      %dma_start3A_120 = tpu.memref_slice %arg2[%dma_start3A_118, %dma_start3A_119] : memref<2048x128xf32, #tpu.memory_space<hbm>> -> memref<2048x128xf32, #tpu.memory_space<hbm>>
      tpu.enqueue_indirect_dma source(%dma_start3A_120 : memref<2048x128xf32, #tpu.memory_space<hbm>>) target(%arg10 : memref<125x128xf32, #tpu.memory_space<vmem>>) offsets(%dma_start3A_117 : memref<125xi32, #tpu.memory_space<vmem>>) semaphore(%arg13 : memref<!tpu.dma_semaphore, #tpu.memory_space<semaphore_mem>>)
    }
    %scan3A_26 = arith.constant 19 : i32
    %dma_wait3A = arith.constant 38 : i32
    %dma_wait3A_27 = arith.constant 0 : i32
    %dma_wait3A_28 = tpu.memref_slice %arg7[%dma_wait3A, %dma_wait3A_27] : memref<40x125xi32, #tpu.memory_space<vmem>> -> memref<1x125xi32, #tpu.memory_space<vmem>>
    %dma_wait3A_29 = tpu.memref_squeeze %dma_wait3A_28 : memref<1x125xi32, #tpu.memory_space<vmem>> -> memref<125xi32, #tpu.memory_space<vmem>>
    %dma_wait3A_30 = arith.constant 0 : i32
    %dma_wait3A_31 = arith.constant 0 : i32
    %dma_wait3A_32 = tpu.memref_slice %arg2[%dma_wait3A_30, %dma_wait3A_31] : memref<2048x128xf32, #tpu.memory_space<hbm>> -> memref<2048x128xf32, #tpu.memory_space<hbm>>
    tpu.wait_indirect_dma semaphore(%arg12 : memref<!tpu.dma_semaphore, #tpu.memory_space<semaphore_mem>>) src(%dma_wait3A_32 : memref<2048x128xf32, #tpu.memory_space<hbm>>) dst(%arg9 : memref<125x128xf32, #tpu.memory_space<vmem>>)
    %run_scoped3A = arith.constant 38 : i32
    "tpu.region"() ({
      %run_scoped3A_86 = tpu.sem_alloc : memref<!tpu.dma_semaphore, #tpu.memory_space<semaphore_mem>>
      %dma_start3A_87 = arith.constant 0 : i32
      %dma_start3A_88 = tpu.memref_slice %arg8[%run_scoped3A, %dma_start3A_87] : memref<40x125xi32, #tpu.memory_space<vmem>> -> memref<1x125xi32, #tpu.memory_space<vmem>>
      %dma_start3A_89 = tpu.memref_squeeze %dma_start3A_88 : memref<1x125xi32, #tpu.memory_space<vmem>> -> memref<125xi32, #tpu.memory_space<vmem>>
      %dma_start3A_90 = arith.constant 0 : i32
      %dma_start3A_91 = arith.constant 0 : i32
      %dma_start3A_92 = tpu.memref_slice %arg11[%dma_start3A_90, %dma_start3A_91] : memref<10240x128xf32, #tpu.memory_space<vmem_shared>> -> memref<10240x128xf32, #tpu.memory_space<vmem_shared>>
      tpu.enqueue_indirect_dma source(%arg9 : memref<125x128xf32, #tpu.memory_space<vmem>>) target(%dma_start3A_92 : memref<10240x128xf32, #tpu.memory_space<vmem_shared>>) offsets(%dma_start3A_89 : memref<125xi32, #tpu.memory_space<vmem>>) semaphore(%run_scoped3A_86 : memref<!tpu.dma_semaphore, #tpu.memory_space<semaphore_mem>>) {add = true}
      %dma_wait3A_93 = arith.constant 0 : i32
      %dma_wait3A_94 = tpu.memref_slice %arg8[%run_scoped3A, %dma_wait3A_93] : memref<40x125xi32, #tpu.memory_space<vmem>> -> memref<1x125xi32, #tpu.memory_space<vmem>>
      %dma_wait3A_95 = tpu.memref_squeeze %dma_wait3A_94 : memref<1x125xi32, #tpu.memory_space<vmem>> -> memref<125xi32, #tpu.memory_space<vmem>>
      %dma_wait3A_96 = arith.constant 0 : i32
      %dma_wait3A_97 = arith.constant 0 : i32
      %dma_wait3A_98 = tpu.memref_slice %arg11[%dma_wait3A_96, %dma_wait3A_97] : memref<10240x128xf32, #tpu.memory_space<vmem_shared>> -> memref<10240x128xf32, #tpu.memory_space<vmem_shared>>
      tpu.wait_indirect_dma semaphore(%run_scoped3A_86 : memref<!tpu.dma_semaphore, #tpu.memory_space<semaphore_mem>>) src(%arg9 : memref<125x128xf32, #tpu.memory_space<vmem>>) dst(%dma_wait3A_98 : memref<10240x128xf32, #tpu.memory_space<vmem_shared>>)
      tpu.yield
    }) : () -> ()
    %dma_wait3A_33 = arith.constant 39 : i32
    %dma_wait3A_34 = arith.constant 0 : i32
    %dma_wait3A_35 = tpu.memref_slice %arg7[%dma_wait3A_33, %dma_wait3A_34] : memref<40x125xi32, #tpu.memory_space<vmem>> -> memref<1x125xi32, #tpu.memory_space<vmem>>
    %dma_wait3A_36 = tpu.memref_squeeze %dma_wait3A_35 : memref<1x125xi32, #tpu.memory_space<vmem>> -> memref<125xi32, #tpu.memory_space<vmem>>
    %dma_wait3A_37 = arith.constant 0 : i32
    %dma_wait3A_38 = arith.constant 0 : i32
    %dma_wait3A_39 = tpu.memref_slice %arg2[%dma_wait3A_37, %dma_wait3A_38] : memref<2048x128xf32, #tpu.memory_space<hbm>> -> memref<2048x128xf32, #tpu.memory_space<hbm>>
    tpu.wait_indirect_dma semaphore(%arg13 : memref<!tpu.dma_semaphore, #tpu.memory_space<semaphore_mem>>) src(%dma_wait3A_39 : memref<2048x128xf32, #tpu.memory_space<hbm>>) dst(%arg10 : memref<125x128xf32, #tpu.memory_space<vmem>>)
    %run_scoped3A_40 = arith.constant 39 : i32
    "tpu.region"() ({
      %run_scoped3A_86 = tpu.sem_alloc : memref<!tpu.dma_semaphore, #tpu.memory_space<semaphore_mem>>
      %dma_start3A_87 = arith.constant 0 : i32
      %dma_start3A_88 = tpu.memref_slice %arg8[%run_scoped3A_40, %dma_start3A_87] : memref<40x125xi32, #tpu.memory_space<vmem>> -> memref<1x125xi32, #tpu.memory_space<vmem>>
      %dma_start3A_89 = tpu.memref_squeeze %dma_start3A_88 : memref<1x125xi32, #tpu.memory_space<vmem>> -> memref<125xi32, #tpu.memory_space<vmem>>
      %dma_start3A_90 = arith.constant 0 : i32
      %dma_start3A_91 = arith.constant 0 : i32
      %dma_start3A_92 = tpu.memref_slice %arg11[%dma_start3A_90, %dma_start3A_91] : memref<10240x128xf32, #tpu.memory_space<vmem_shared>> -> memref<10240x128xf32, #tpu.memory_space<vmem_shared>>
      tpu.enqueue_indirect_dma source(%arg10 : memref<125x128xf32, #tpu.memory_space<vmem>>) target(%dma_start3A_92 : memref<10240x128xf32, #tpu.memory_space<vmem_shared>>) offsets(%dma_start3A_89 : memref<125xi32, #tpu.memory_space<vmem>>) semaphore(%run_scoped3A_86 : memref<!tpu.dma_semaphore, #tpu.memory_space<semaphore_mem>>) {add = true}
      %dma_wait3A_93 = arith.constant 0 : i32
      %dma_wait3A_94 = tpu.memref_slice %arg8[%run_scoped3A_40, %dma_wait3A_93] : memref<40x125xi32, #tpu.memory_space<vmem>> -> memref<1x125xi32, #tpu.memory_space<vmem>>
      %dma_wait3A_95 = tpu.memref_squeeze %dma_wait3A_94 : memref<1x125xi32, #tpu.memory_space<vmem>> -> memref<125xi32, #tpu.memory_space<vmem>>
      %dma_wait3A_96 = arith.constant 0 : i32
      %dma_wait3A_97 = arith.constant 0 : i32
      %dma_wait3A_98 = tpu.memref_slice %arg11[%dma_wait3A_96, %dma_wait3A_97] : memref<10240x128xf32, #tpu.memory_space<vmem_shared>> -> memref<10240x128xf32, #tpu.memory_space<vmem_shared>>
      tpu.wait_indirect_dma semaphore(%run_scoped3A_86 : memref<!tpu.dma_semaphore, #tpu.memory_space<semaphore_mem>>) src(%arg10 : memref<125x128xf32, #tpu.memory_space<vmem>>) dst(%dma_wait3A_98 : memref<10240x128xf32, #tpu.memory_space<vmem_shared>>)
      tpu.yield
    }) : () -> ()
    %add3A_41 = arith.constant 40 : i32
    %add3A_42 = arith.addi %mul3A_2, %add3A_41 : i32
    "tpu.region"() ({
      %run_scoped3A_86 = tpu.sem_alloc : memref<!tpu.dma_semaphore, #tpu.memory_space<semaphore_mem>>
      %dma_start3A_87 = arith.constant 0 : i32
      %dma_start3A_88 = tpu.memref_slice %arg3[%add3A_42, %dma_start3A_87] : memref<2560x125xi32, #tpu.memory_space<hbm>> -> memref<40x125xi32, #tpu.memory_space<hbm>>
      %dma_start3A_89 = arith.constant 0 : i32
      %dma_start3A_90 = tpu.memref_slice %arg3[%add3A_42, %dma_start3A_89] : memref<2560x125xi32, #tpu.memory_space<hbm>> -> memref<40x125xi32, #tpu.memory_space<hbm>>
      tpu.enqueue_dma source(%dma_start3A_90 : memref<40x125xi32, #tpu.memory_space<hbm>>) target(%arg7 : memref<40x125xi32, #tpu.memory_space<vmem>>) target_semaphore(%run_scoped3A_86 : memref<!tpu.dma_semaphore, #tpu.memory_space<semaphore_mem>>)
      %dma_wait3A_91 = arith.constant 0 : i32
      %dma_wait3A_92 = tpu.memref_slice %arg3[%add3A_42, %dma_wait3A_91] : memref<2560x125xi32, #tpu.memory_space<hbm>> -> memref<40x125xi32, #tpu.memory_space<hbm>>
      %dma_wait3A_93 = arith.constant 0 : i32
      %dma_wait3A_94 = tpu.memref_slice %arg3[%add3A_42, %dma_wait3A_93] : memref<2560x125xi32, #tpu.memory_space<hbm>> -> memref<40x125xi32, #tpu.memory_space<hbm>>
      tpu.wait_dma2 semaphore(%run_scoped3A_86 : memref<!tpu.dma_semaphore, #tpu.memory_space<semaphore_mem>>) src(%dma_wait3A_94 : memref<40x125xi32, #tpu.memory_space<hbm>>) dst(%arg7 : memref<40x125xi32, #tpu.memory_space<vmem>>)
      tpu.yield
    }) : () -> ()
    %add3A_43 = arith.constant 40 : i32
    %add3A_44 = arith.addi %mul3A_2, %add3A_43 : i32
    "tpu.region"() ({
      %run_scoped3A_86 = tpu.sem_alloc : memref<!tpu.dma_semaphore, #tpu.memory_space<semaphore_mem>>
      %dma_start3A_87 = arith.constant 0 : i32
      %dma_start3A_88 = tpu.memref_slice %arg4[%add3A_44, %dma_start3A_87] : memref<2560x125xi32, #tpu.memory_space<hbm>> -> memref<40x125xi32, #tpu.memory_space<hbm>>
      %dma_start3A_89 = arith.constant 0 : i32
      %dma_start3A_90 = tpu.memref_slice %arg4[%add3A_44, %dma_start3A_89] : memref<2560x125xi32, #tpu.memory_space<hbm>> -> memref<40x125xi32, #tpu.memory_space<hbm>>
      tpu.enqueue_dma source(%dma_start3A_90 : memref<40x125xi32, #tpu.memory_space<hbm>>) target(%arg8 : memref<40x125xi32, #tpu.memory_space<vmem>>) target_semaphore(%run_scoped3A_86 : memref<!tpu.dma_semaphore, #tpu.memory_space<semaphore_mem>>)
      %dma_wait3A_91 = arith.constant 0 : i32
      %dma_wait3A_92 = tpu.memref_slice %arg4[%add3A_44, %dma_wait3A_91] : memref<2560x125xi32, #tpu.memory_space<hbm>> -> memref<40x125xi32, #tpu.memory_space<hbm>>
      %dma_wait3A_93 = arith.constant 0 : i32
      %dma_wait3A_94 = tpu.memref_slice %arg4[%add3A_44, %dma_wait3A_93] : memref<2560x125xi32, #tpu.memory_space<hbm>> -> memref<40x125xi32, #tpu.memory_space<hbm>>
      tpu.wait_dma2 semaphore(%run_scoped3A_86 : memref<!tpu.dma_semaphore, #tpu.memory_space<semaphore_mem>>) src(%dma_wait3A_94 : memref<40x125xi32, #tpu.memory_space<hbm>>) dst(%arg8 : memref<40x125xi32, #tpu.memory_space<vmem>>)
      tpu.yield
    }) : () -> ()
    %dma_start3A_45 = arith.constant 0 : i32
    %dma_start3A_46 = arith.constant 0 : i32
    %dma_start3A_47 = tpu.memref_slice %arg7[%dma_start3A_45, %dma_start3A_46] : memref<40x125xi32, #tpu.memory_space<vmem>> -> memref<1x125xi32, #tpu.memory_space<vmem>>
    %dma_start3A_48 = tpu.memref_squeeze %dma_start3A_47 : memref<1x125xi32, #tpu.memory_space<vmem>> -> memref<125xi32, #tpu.memory_space<vmem>>
    %dma_start3A_49 = arith.constant 0 : i32
    %dma_start3A_50 = arith.constant 0 : i32
    %dma_start3A_51 = tpu.memref_slice %arg2[%dma_start3A_49, %dma_start3A_50] : memref<2048x128xf32, #tpu.memory_space<hbm>> -> memref<2048x128xf32, #tpu.memory_space<hbm>>
    tpu.enqueue_indirect_dma source(%dma_start3A_51 : memref<2048x128xf32, #tpu.memory_space<hbm>>) target(%arg9 : memref<125x128xf32, #tpu.memory_space<vmem>>) offsets(%dma_start3A_48 : memref<125xi32, #tpu.memory_space<vmem>>) semaphore(%arg12 : memref<!tpu.dma_semaphore, #tpu.memory_space<semaphore_mem>>)
    %dma_start3A_52 = arith.constant 1 : i32
    %dma_start3A_53 = arith.constant 0 : i32
    %dma_start3A_54 = tpu.memref_slice %arg7[%dma_start3A_52, %dma_start3A_53] : memref<40x125xi32, #tpu.memory_space<vmem>> -> memref<1x125xi32, #tpu.memory_space<vmem>>
    %dma_start3A_55 = tpu.memref_squeeze %dma_start3A_54 : memref<1x125xi32, #tpu.memory_space<vmem>> -> memref<125xi32, #tpu.memory_space<vmem>>
    %dma_start3A_56 = arith.constant 0 : i32
    %dma_start3A_57 = arith.constant 0 : i32
    %dma_start3A_58 = tpu.memref_slice %arg2[%dma_start3A_56, %dma_start3A_57] : memref<2048x128xf32, #tpu.memory_space<hbm>> -> memref<2048x128xf32, #tpu.memory_space<hbm>>
    tpu.enqueue_indirect_dma source(%dma_start3A_58 : memref<2048x128xf32, #tpu.memory_space<hbm>>) target(%arg10 : memref<125x128xf32, #tpu.memory_space<vmem>>) offsets(%dma_start3A_55 : memref<125xi32, #tpu.memory_space<vmem>>) semaphore(%arg13 : memref<!tpu.dma_semaphore, #tpu.memory_space<semaphore_mem>>)
    %scan3A_59 = arith.constant 0 : i32
    %scan3A_60 = arith.constant 0 : i32
    %scan3A_61 = arith.constant 19 : i32
    %scan3A_62 = arith.addi %scan3A_60, %scan3A_61 : i32
    %scan3A_63 = arith.constant 1 : i32
    scf.for %scan3A_86 = %scan3A_60 to %scan3A_62 step %scan3A_63  : i32 {
      %mul3A_87 = arith.constant 2 : i32
      %mul3A_88 = arith.muli %mul3A_87, %scan3A_86 : i32
      %dma_wait3A_89 = arith.constant 0 : i32
      %dma_wait3A_90 = tpu.memref_slice %arg7[%mul3A_88, %dma_wait3A_89] : memref<40x125xi32, #tpu.memory_space<vmem>> -> memref<1x125xi32, #tpu.memory_space<vmem>>
      %dma_wait3A_91 = tpu.memref_squeeze %dma_wait3A_90 : memref<1x125xi32, #tpu.memory_space<vmem>> -> memref<125xi32, #tpu.memory_space<vmem>>
      %dma_wait3A_92 = arith.constant 0 : i32
      %dma_wait3A_93 = arith.constant 0 : i32
      %dma_wait3A_94 = tpu.memref_slice %arg2[%dma_wait3A_92, %dma_wait3A_93] : memref<2048x128xf32, #tpu.memory_space<hbm>> -> memref<2048x128xf32, #tpu.memory_space<hbm>>
      tpu.wait_indirect_dma semaphore(%arg12 : memref<!tpu.dma_semaphore, #tpu.memory_space<semaphore_mem>>) src(%dma_wait3A_94 : memref<2048x128xf32, #tpu.memory_space<hbm>>) dst(%arg9 : memref<125x128xf32, #tpu.memory_space<vmem>>)
      "tpu.region"() ({
        %run_scoped3A_121 = tpu.sem_alloc : memref<!tpu.dma_semaphore, #tpu.memory_space<semaphore_mem>>
        %dma_start3A_122 = arith.constant 0 : i32
        %dma_start3A_123 = tpu.memref_slice %arg8[%mul3A_88, %dma_start3A_122] : memref<40x125xi32, #tpu.memory_space<vmem>> -> memref<1x125xi32, #tpu.memory_space<vmem>>
        %dma_start3A_124 = tpu.memref_squeeze %dma_start3A_123 : memref<1x125xi32, #tpu.memory_space<vmem>> -> memref<125xi32, #tpu.memory_space<vmem>>
        %dma_start3A_125 = arith.constant 0 : i32
        %dma_start3A_126 = arith.constant 0 : i32
        %dma_start3A_127 = tpu.memref_slice %arg11[%dma_start3A_125, %dma_start3A_126] : memref<10240x128xf32, #tpu.memory_space<vmem_shared>> -> memref<10240x128xf32, #tpu.memory_space<vmem_shared>>
        tpu.enqueue_indirect_dma source(%arg9 : memref<125x128xf32, #tpu.memory_space<vmem>>) target(%dma_start3A_127 : memref<10240x128xf32, #tpu.memory_space<vmem_shared>>) offsets(%dma_start3A_124 : memref<125xi32, #tpu.memory_space<vmem>>) semaphore(%run_scoped3A_121 : memref<!tpu.dma_semaphore, #tpu.memory_space<semaphore_mem>>) {add = true}
        %dma_wait3A_128 = arith.constant 0 : i32
        %dma_wait3A_129 = tpu.memref_slice %arg8[%mul3A_88, %dma_wait3A_128] : memref<40x125xi32, #tpu.memory_space<vmem>> -> memref<1x125xi32, #tpu.memory_space<vmem>>
        %dma_wait3A_130 = tpu.memref_squeeze %dma_wait3A_129 : memref<1x125xi32, #tpu.memory_space<vmem>> -> memref<125xi32, #tpu.memory_space<vmem>>
        %dma_wait3A_131 = arith.constant 0 : i32
        %dma_wait3A_132 = arith.constant 0 : i32
        %dma_wait3A_133 = tpu.memref_slice %arg11[%dma_wait3A_131, %dma_wait3A_132] : memref<10240x128xf32, #tpu.memory_space<vmem_shared>> -> memref<10240x128xf32, #tpu.memory_space<vmem_shared>>
        tpu.wait_indirect_dma semaphore(%run_scoped3A_121 : memref<!tpu.dma_semaphore, #tpu.memory_space<semaphore_mem>>) src(%arg9 : memref<125x128xf32, #tpu.memory_space<vmem>>) dst(%dma_wait3A_133 : memref<10240x128xf32, #tpu.memory_space<vmem_shared>>)
        tpu.yield
      }) : () -> ()
      %add3A_95 = arith.constant 2 : i32
      %add3A_96 = arith.addi %mul3A_88, %add3A_95 : i32
      %dma_start3A_97 = arith.constant 0 : i32
      %dma_start3A_98 = tpu.memref_slice %arg7[%add3A_96, %dma_start3A_97] : memref<40x125xi32, #tpu.memory_space<vmem>> -> memref<1x125xi32, #tpu.memory_space<vmem>>
      %dma_start3A_99 = tpu.memref_squeeze %dma_start3A_98 : memref<1x125xi32, #tpu.memory_space<vmem>> -> memref<125xi32, #tpu.memory_space<vmem>>
      %dma_start3A_100 = arith.constant 0 : i32
      %dma_start3A_101 = arith.constant 0 : i32
      %dma_start3A_102 = tpu.memref_slice %arg2[%dma_start3A_100, %dma_start3A_101] : memref<2048x128xf32, #tpu.memory_space<hbm>> -> memref<2048x128xf32, #tpu.memory_space<hbm>>
      tpu.enqueue_indirect_dma source(%dma_start3A_102 : memref<2048x128xf32, #tpu.memory_space<hbm>>) target(%arg9 : memref<125x128xf32, #tpu.memory_space<vmem>>) offsets(%dma_start3A_99 : memref<125xi32, #tpu.memory_space<vmem>>) semaphore(%arg12 : memref<!tpu.dma_semaphore, #tpu.memory_space<semaphore_mem>>)
      %add3A_103 = arith.constant 1 : i32
      %add3A_104 = arith.addi %mul3A_88, %add3A_103 : i32
      %dma_wait3A_105 = arith.constant 0 : i32
      %dma_wait3A_106 = tpu.memref_slice %arg7[%add3A_104, %dma_wait3A_105] : memref<40x125xi32, #tpu.memory_space<vmem>> -> memref<1x125xi32, #tpu.memory_space<vmem>>
      %dma_wait3A_107 = tpu.memref_squeeze %dma_wait3A_106 : memref<1x125xi32, #tpu.memory_space<vmem>> -> memref<125xi32, #tpu.memory_space<vmem>>
      %dma_wait3A_108 = arith.constant 0 : i32
      %dma_wait3A_109 = arith.constant 0 : i32
      %dma_wait3A_110 = tpu.memref_slice %arg2[%dma_wait3A_108, %dma_wait3A_109] : memref<2048x128xf32, #tpu.memory_space<hbm>> -> memref<2048x128xf32, #tpu.memory_space<hbm>>
      tpu.wait_indirect_dma semaphore(%arg13 : memref<!tpu.dma_semaphore, #tpu.memory_space<semaphore_mem>>) src(%dma_wait3A_110 : memref<2048x128xf32, #tpu.memory_space<hbm>>) dst(%arg10 : memref<125x128xf32, #tpu.memory_space<vmem>>)
      %add3A_111 = arith.constant 1 : i32
      %add3A_112 = arith.addi %mul3A_88, %add3A_111 : i32
      "tpu.region"() ({
        %run_scoped3A_121 = tpu.sem_alloc : memref<!tpu.dma_semaphore, #tpu.memory_space<semaphore_mem>>
        %dma_start3A_122 = arith.constant 0 : i32
        %dma_start3A_123 = tpu.memref_slice %arg8[%add3A_112, %dma_start3A_122] : memref<40x125xi32, #tpu.memory_space<vmem>> -> memref<1x125xi32, #tpu.memory_space<vmem>>
        %dma_start3A_124 = tpu.memref_squeeze %dma_start3A_123 : memref<1x125xi32, #tpu.memory_space<vmem>> -> memref<125xi32, #tpu.memory_space<vmem>>
        %dma_start3A_125 = arith.constant 0 : i32
        %dma_start3A_126 = arith.constant 0 : i32
        %dma_start3A_127 = tpu.memref_slice %arg11[%dma_start3A_125, %dma_start3A_126] : memref<10240x128xf32, #tpu.memory_space<vmem_shared>> -> memref<10240x128xf32, #tpu.memory_space<vmem_shared>>
        tpu.enqueue_indirect_dma source(%arg10 : memref<125x128xf32, #tpu.memory_space<vmem>>) target(%dma_start3A_127 : memref<10240x128xf32, #tpu.memory_space<vmem_shared>>) offsets(%dma_start3A_124 : memref<125xi32, #tpu.memory_space<vmem>>) semaphore(%run_scoped3A_121 : memref<!tpu.dma_semaphore, #tpu.memory_space<semaphore_mem>>) {add = true}
        %dma_wait3A_128 = arith.constant 0 : i32
        %dma_wait3A_129 = tpu.memref_slice %arg8[%add3A_112, %dma_wait3A_128] : memref<40x125xi32, #tpu.memory_space<vmem>> -> memref<1x125xi32, #tpu.memory_space<vmem>>
        %dma_wait3A_130 = tpu.memref_squeeze %dma_wait3A_129 : memref<1x125xi32, #tpu.memory_space<vmem>> -> memref<125xi32, #tpu.memory_space<vmem>>
        %dma_wait3A_131 = arith.constant 0 : i32
        %dma_wait3A_132 = arith.constant 0 : i32
        %dma_wait3A_133 = tpu.memref_slice %arg11[%dma_wait3A_131, %dma_wait3A_132] : memref<10240x128xf32, #tpu.memory_space<vmem_shared>> -> memref<10240x128xf32, #tpu.memory_space<vmem_shared>>
        tpu.wait_indirect_dma semaphore(%run_scoped3A_121 : memref<!tpu.dma_semaphore, #tpu.memory_space<semaphore_mem>>) src(%arg10 : memref<125x128xf32, #tpu.memory_space<vmem>>) dst(%dma_wait3A_133 : memref<10240x128xf32, #tpu.memory_space<vmem_shared>>)
        tpu.yield
      }) : () -> ()
      %add3A_113 = arith.constant 3 : i32
      %add3A_114 = arith.addi %mul3A_88, %add3A_113 : i32
      %dma_start3A_115 = arith.constant 0 : i32
      %dma_start3A_116 = tpu.memref_slice %arg7[%add3A_114, %dma_start3A_115] : memref<40x125xi32, #tpu.memory_space<vmem>> -> memref<1x125xi32, #tpu.memory_space<vmem>>
      %dma_start3A_117 = tpu.memref_squeeze %dma_start3A_116 : memref<1x125xi32, #tpu.memory_space<vmem>> -> memref<125xi32, #tpu.memory_space<vmem>>
      %dma_start3A_118 = arith.constant 0 : i32
      %dma_start3A_119 = arith.constant 0 : i32
      %dma_start3A_120 = tpu.memref_slice %arg2[%dma_start3A_118, %dma_start3A_119] : memref<2048x128xf32, #tpu.memory_space<hbm>> -> memref<2048x128xf32, #tpu.memory_space<hbm>>
      tpu.enqueue_indirect_dma source(%dma_start3A_120 : memref<2048x128xf32, #tpu.memory_space<hbm>>) target(%arg10 : memref<125x128xf32, #tpu.memory_space<vmem>>) offsets(%dma_start3A_117 : memref<125xi32, #tpu.memory_space<vmem>>) semaphore(%arg13 : memref<!tpu.dma_semaphore, #tpu.memory_space<semaphore_mem>>)
    }
    %scan3A_64 = arith.constant 19 : i32
    %dma_wait3A_65 = arith.constant 38 : i32
    %dma_wait3A_66 = arith.constant 0 : i32
    %dma_wait3A_67 = tpu.memref_slice %arg7[%dma_wait3A_65, %dma_wait3A_66] : memref<40x125xi32, #tpu.memory_space<vmem>> -> memref<1x125xi32, #tpu.memory_space<vmem>>
    %dma_wait3A_68 = tpu.memref_squeeze %dma_wait3A_67 : memref<1x125xi32, #tpu.memory_space<vmem>> -> memref<125xi32, #tpu.memory_space<vmem>>
    %dma_wait3A_69 = arith.constant 0 : i32
    %dma_wait3A_70 = arith.constant 0 : i32
    %dma_wait3A_71 = tpu.memref_slice %arg2[%dma_wait3A_69, %dma_wait3A_70] : memref<2048x128xf32, #tpu.memory_space<hbm>> -> memref<2048x128xf32, #tpu.memory_space<hbm>>
    tpu.wait_indirect_dma semaphore(%arg12 : memref<!tpu.dma_semaphore, #tpu.memory_space<semaphore_mem>>) src(%dma_wait3A_71 : memref<2048x128xf32, #tpu.memory_space<hbm>>) dst(%arg9 : memref<125x128xf32, #tpu.memory_space<vmem>>)
    %run_scoped3A_72 = arith.constant 38 : i32
    "tpu.region"() ({
      %run_scoped3A_86 = tpu.sem_alloc : memref<!tpu.dma_semaphore, #tpu.memory_space<semaphore_mem>>
      %dma_start3A_87 = arith.constant 0 : i32
      %dma_start3A_88 = tpu.memref_slice %arg8[%run_scoped3A_72, %dma_start3A_87] : memref<40x125xi32, #tpu.memory_space<vmem>> -> memref<1x125xi32, #tpu.memory_space<vmem>>
      %dma_start3A_89 = tpu.memref_squeeze %dma_start3A_88 : memref<1x125xi32, #tpu.memory_space<vmem>> -> memref<125xi32, #tpu.memory_space<vmem>>
      %dma_start3A_90 = arith.constant 0 : i32
      %dma_start3A_91 = arith.constant 0 : i32
      %dma_start3A_92 = tpu.memref_slice %arg11[%dma_start3A_90, %dma_start3A_91] : memref<10240x128xf32, #tpu.memory_space<vmem_shared>> -> memref<10240x128xf32, #tpu.memory_space<vmem_shared>>
      tpu.enqueue_indirect_dma source(%arg9 : memref<125x128xf32, #tpu.memory_space<vmem>>) target(%dma_start3A_92 : memref<10240x128xf32, #tpu.memory_space<vmem_shared>>) offsets(%dma_start3A_89 : memref<125xi32, #tpu.memory_space<vmem>>) semaphore(%run_scoped3A_86 : memref<!tpu.dma_semaphore, #tpu.memory_space<semaphore_mem>>) {add = true}
      %dma_wait3A_93 = arith.constant 0 : i32
      %dma_wait3A_94 = tpu.memref_slice %arg8[%run_scoped3A_72, %dma_wait3A_93] : memref<40x125xi32, #tpu.memory_space<vmem>> -> memref<1x125xi32, #tpu.memory_space<vmem>>
      %dma_wait3A_95 = tpu.memref_squeeze %dma_wait3A_94 : memref<1x125xi32, #tpu.memory_space<vmem>> -> memref<125xi32, #tpu.memory_space<vmem>>
      %dma_wait3A_96 = arith.constant 0 : i32
      %dma_wait3A_97 = arith.constant 0 : i32
      %dma_wait3A_98 = tpu.memref_slice %arg11[%dma_wait3A_96, %dma_wait3A_97] : memref<10240x128xf32, #tpu.memory_space<vmem_shared>> -> memref<10240x128xf32, #tpu.memory_space<vmem_shared>>
      tpu.wait_indirect_dma semaphore(%run_scoped3A_86 : memref<!tpu.dma_semaphore, #tpu.memory_space<semaphore_mem>>) src(%arg9 : memref<125x128xf32, #tpu.memory_space<vmem>>) dst(%dma_wait3A_98 : memref<10240x128xf32, #tpu.memory_space<vmem_shared>>)
      tpu.yield
    }) : () -> ()
    %dma_wait3A_73 = arith.constant 39 : i32
    %dma_wait3A_74 = arith.constant 0 : i32
    %dma_wait3A_75 = tpu.memref_slice %arg7[%dma_wait3A_73, %dma_wait3A_74] : memref<40x125xi32, #tpu.memory_space<vmem>> -> memref<1x125xi32, #tpu.memory_space<vmem>>
    %dma_wait3A_76 = tpu.memref_squeeze %dma_wait3A_75 : memref<1x125xi32, #tpu.memory_space<vmem>> -> memref<125xi32, #tpu.memory_space<vmem>>
    %dma_wait3A_77 = arith.constant 0 : i32
    %dma_wait3A_78 = arith.constant 0 : i32
    %dma_wait3A_79 = tpu.memref_slice %arg2[%dma_wait3A_77, %dma_wait3A_78] : memref<2048x128xf32, #tpu.memory_space<hbm>> -> memref<2048x128xf32, #tpu.memory_space<hbm>>
    tpu.wait_indirect_dma semaphore(%arg13 : memref<!tpu.dma_semaphore, #tpu.memory_space<semaphore_mem>>) src(%dma_wait3A_79 : memref<2048x128xf32, #tpu.memory_space<hbm>>) dst(%arg10 : memref<125x128xf32, #tpu.memory_space<vmem>>)
    %run_scoped3A_80 = arith.constant 39 : i32
    "tpu.region"() ({
      %run_scoped3A_86 = tpu.sem_alloc : memref<!tpu.dma_semaphore, #tpu.memory_space<semaphore_mem>>
      %dma_start3A_87 = arith.constant 0 : i32
      %dma_start3A_88 = tpu.memref_slice %arg8[%run_scoped3A_80, %dma_start3A_87] : memref<40x125xi32, #tpu.memory_space<vmem>> -> memref<1x125xi32, #tpu.memory_space<vmem>>
      %dma_start3A_89 = tpu.memref_squeeze %dma_start3A_88 : memref<1x125xi32, #tpu.memory_space<vmem>> -> memref<125xi32, #tpu.memory_space<vmem>>
      %dma_start3A_90 = arith.constant 0 : i32
      %dma_start3A_91 = arith.constant 0 : i32
      %dma_start3A_92 = tpu.memref_slice %arg11[%dma_start3A_90, %dma_start3A_91] : memref<10240x128xf32, #tpu.memory_space<vmem_shared>> -> memref<10240x128xf32, #tpu.memory_space<vmem_shared>>
      tpu.enqueue_indirect_dma source(%arg10 : memref<125x128xf32, #tpu.memory_space<vmem>>) target(%dma_start3A_92 : memref<10240x128xf32, #tpu.memory_space<vmem_shared>>) offsets(%dma_start3A_89 : memref<125xi32, #tpu.memory_space<vmem>>) semaphore(%run_scoped3A_86 : memref<!tpu.dma_semaphore, #tpu.memory_space<semaphore_mem>>) {add = true}
      %dma_wait3A_93 = arith.constant 0 : i32
      %dma_wait3A_94 = tpu.memref_slice %arg8[%run_scoped3A_80, %dma_wait3A_93] : memref<40x125xi32, #tpu.memory_space<vmem>> -> memref<1x125xi32, #tpu.memory_space<vmem>>
      %dma_wait3A_95 = tpu.memref_squeeze %dma_wait3A_94 : memref<1x125xi32, #tpu.memory_space<vmem>> -> memref<125xi32, #tpu.memory_space<vmem>>
      %dma_wait3A_96 = arith.constant 0 : i32
      %dma_wait3A_97 = arith.constant 0 : i32
      %dma_wait3A_98 = tpu.memref_slice %arg11[%dma_wait3A_96, %dma_wait3A_97] : memref<10240x128xf32, #tpu.memory_space<vmem_shared>> -> memref<10240x128xf32, #tpu.memory_space<vmem_shared>>
      tpu.wait_indirect_dma semaphore(%run_scoped3A_86 : memref<!tpu.dma_semaphore, #tpu.memory_space<semaphore_mem>>) src(%arg10 : memref<125x128xf32, #tpu.memory_space<vmem>>) dst(%dma_wait3A_98 : memref<10240x128xf32, #tpu.memory_space<vmem_shared>>)
      tpu.yield
    }) : () -> ()
    %barrier3A_81 = arith.constant 0 : index
    tpu.barrier barrier_id(%barrier3A_81)
    %mul3A_82 = arith.constant 640 : i32
    %mul3A_83 = arith.muli %arg1, %mul3A_82 : i32
    %mul3A_84 = arith.constant 640 : i32
    %mul3A_85 = arith.muli %arg1, %mul3A_84 : i32
    "tpu.region"() ({
      %run_scoped3A_86 = tpu.sem_alloc : memref<!tpu.dma_semaphore, #tpu.memory_space<semaphore_mem>>
      %dma_start3A_87 = arith.constant 0 : i32
      %dma_start3A_88 = tpu.memref_slice %arg6[%arg0, %mul3A_85, %dma_start3A_87] : memref<2x10240x128xf32, #tpu.memory_space<hbm>> -> memref<1x640x128xf32, #tpu.memory_space<hbm>>
      %dma_start3A_89 = tpu.memref_squeeze %dma_start3A_88 : memref<1x640x128xf32, #tpu.memory_space<hbm>> -> memref<640x128xf32, #tpu.memory_space<hbm>>
      %dma_start3A_90 = arith.constant 0 : i32
      %dma_start3A_91 = tpu.memref_slice %arg11[%mul3A_83, %dma_start3A_90] : memref<10240x128xf32, #tpu.memory_space<vmem_shared>> -> memref<640x128xf32, #tpu.memory_space<vmem_shared>>
      tpu.enqueue_dma source(%dma_start3A_91 : memref<640x128xf32, #tpu.memory_space<vmem_shared>>) target(%dma_start3A_89 : memref<640x128xf32, #tpu.memory_space<hbm>>) target_semaphore(%run_scoped3A_86 : memref<!tpu.dma_semaphore, #tpu.memory_space<semaphore_mem>>)
      %dma_wait3A_92 = arith.constant 0 : i32
      %dma_wait3A_93 = tpu.memref_slice %arg6[%arg0, %mul3A_85, %dma_wait3A_92] : memref<2x10240x128xf32, #tpu.memory_space<hbm>> -> memref<1x640x128xf32, #tpu.memory_space<hbm>>
      %dma_wait3A_94 = tpu.memref_squeeze %dma_wait3A_93 : memref<1x640x128xf32, #tpu.memory_space<hbm>> -> memref<640x128xf32, #tpu.memory_space<hbm>>
      %dma_wait3A_95 = arith.constant 0 : i32
      %dma_wait3A_96 = tpu.memref_slice %arg11[%mul3A_83, %dma_wait3A_95] : memref<10240x128xf32, #tpu.memory_space<vmem_shared>> -> memref<640x128xf32, #tpu.memory_space<vmem_shared>>
      tpu.wait_dma2 semaphore(%run_scoped3A_86 : memref<!tpu.dma_semaphore, #tpu.memory_space<semaphore_mem>>) src(%dma_wait3A_96 : memref<640x128xf32, #tpu.memory_space<vmem_shared>>) dst(%dma_wait3A_94 : memref<640x128xf32, #tpu.memory_space<hbm>>)
      tpu.yield
    }) : () -> ()
    return
  }
}

#map = affine_map<(d0, d1) -> (0, 0)>
#map1 = affine_map<(d0, d1) -> (0)>
module attributes {stable_mosaic.version = 14 : i64} {
  func.func @body(%arg0: i32, %arg1: i32, %arg2: memref<10000x128xf32, #tpu.memory_space<hbm>>, %arg3: memref<2560x125xi32, #tpu.memory_space<hbm>>, %arg4: memref<2560x125xi32, #tpu.memory_space<hbm>>, %arg5: memref<320000xi32, #tpu.memory_space<hbm>>, %arg6: memref<320000xi32, #tpu.memory_space<hbm>>, %arg7: memref<640x128xf32, #tpu.memory_space<hbm>>, %arg8: memref<10000xf32, #tpu.memory_space<hbm>>, %arg9: memref<4096x128xf32, #tpu.memory_space<hbm>>, %arg10: memref<32x10000xf32, #tpu.memory_space<hbm>>, %arg11: memref<32x2048xf32, #tpu.memory_space<hbm>>, %arg12: memref<80x125xi32, #tpu.memory_space<vmem>>, %arg13: memref<80x125xi32, #tpu.memory_space<vmem>>, %arg14: memref<125x128xf32, #tpu.memory_space<vmem>>, %arg15: memref<125x128xf32, #tpu.memory_space<vmem>>, %arg16: memref<10000xi32, #tpu.memory_space<vmem>>, %arg17: memref<10000xi32, #tpu.memory_space<vmem>>, %arg18: memref<10000xf32, #tpu.memory_space<vmem>>, %arg19: memref<2048xf32, #tpu.memory_space<vmem>>, %arg20: memref<2048x128xf32, #tpu.memory_space<vmem_shared>>, %arg21: memref<!tpu.dma_semaphore, #tpu.memory_space<semaphore_mem>>, %arg22: memref<!tpu.dma_semaphore, #tpu.memory_space<semaphore_mem>>) attributes {dimension_semantics = [#tpu.dimension_semantics<core_parallel>, #tpu.dimension_semantics<subcore_parallel>], iteration_bounds = array<i64: 2, 16>, scalar_prefetch = 0 : i64, scratch_operands = 11 : i64, tpu.core_type = #tpu.core_type<sc_vector_subcore>, window_params = [{transform_indices = #map}, {transform_indices = #map}, {transform_indices = #map}, {transform_indices = #map1}, {transform_indices = #map1}, {transform_indices = #map}, {transform_indices = #map1}, {transform_indices = #map}, {transform_indices = #map}, {transform_indices = #map}]} {
    %mul3A = arith.constant 2 : i32
    %mul3A_0 = arith.muli %arg1, %mul3A : i32
    %add3A = arith.addi %mul3A_0, %arg0 : i32
    %mul3A_1 = arith.constant 80 : i32
    %mul3A_2 = arith.muli %add3A, %mul3A_1 : i32
    "tpu.region"() ({
      %run_scoped3A_59 = tpu.sem_alloc : memref<!tpu.dma_semaphore, #tpu.memory_space<semaphore_mem>>
      %dma_start3A_60 = arith.constant 0 : i32
      %dma_start3A_61 = tpu.memref_slice %arg3[%mul3A_2, %dma_start3A_60] : memref<2560x125xi32, #tpu.memory_space<hbm>> -> memref<80x125xi32, #tpu.memory_space<hbm>>
      %dma_start3A_62 = arith.constant 0 : i32
      %dma_start3A_63 = tpu.memref_slice %arg3[%mul3A_2, %dma_start3A_62] : memref<2560x125xi32, #tpu.memory_space<hbm>> -> memref<80x125xi32, #tpu.memory_space<hbm>>
      tpu.enqueue_dma source(%dma_start3A_63 : memref<80x125xi32, #tpu.memory_space<hbm>>) target(%arg12 : memref<80x125xi32, #tpu.memory_space<vmem>>) target_semaphore(%run_scoped3A_59 : memref<!tpu.dma_semaphore, #tpu.memory_space<semaphore_mem>>)
      %dma_wait3A_64 = arith.constant 0 : i32
      %dma_wait3A_65 = tpu.memref_slice %arg3[%mul3A_2, %dma_wait3A_64] : memref<2560x125xi32, #tpu.memory_space<hbm>> -> memref<80x125xi32, #tpu.memory_space<hbm>>
      %dma_wait3A_66 = arith.constant 0 : i32
      %dma_wait3A_67 = tpu.memref_slice %arg3[%mul3A_2, %dma_wait3A_66] : memref<2560x125xi32, #tpu.memory_space<hbm>> -> memref<80x125xi32, #tpu.memory_space<hbm>>
      tpu.wait_dma2 semaphore(%run_scoped3A_59 : memref<!tpu.dma_semaphore, #tpu.memory_space<semaphore_mem>>) src(%dma_wait3A_67 : memref<80x125xi32, #tpu.memory_space<hbm>>) dst(%arg12 : memref<80x125xi32, #tpu.memory_space<vmem>>)
      tpu.yield
    }) : () -> ()
    "tpu.region"() ({
      %run_scoped3A_59 = tpu.sem_alloc : memref<!tpu.dma_semaphore, #tpu.memory_space<semaphore_mem>>
      %dma_start3A_60 = arith.constant 0 : i32
      %dma_start3A_61 = tpu.memref_slice %arg4[%mul3A_2, %dma_start3A_60] : memref<2560x125xi32, #tpu.memory_space<hbm>> -> memref<80x125xi32, #tpu.memory_space<hbm>>
      %dma_start3A_62 = arith.constant 0 : i32
      %dma_start3A_63 = tpu.memref_slice %arg4[%mul3A_2, %dma_start3A_62] : memref<2560x125xi32, #tpu.memory_space<hbm>> -> memref<80x125xi32, #tpu.memory_space<hbm>>
      tpu.enqueue_dma source(%dma_start3A_63 : memref<80x125xi32, #tpu.memory_space<hbm>>) target(%arg13 : memref<80x125xi32, #tpu.memory_space<vmem>>) target_semaphore(%run_scoped3A_59 : memref<!tpu.dma_semaphore, #tpu.memory_space<semaphore_mem>>)
      %dma_wait3A_64 = arith.constant 0 : i32
      %dma_wait3A_65 = tpu.memref_slice %arg4[%mul3A_2, %dma_wait3A_64] : memref<2560x125xi32, #tpu.memory_space<hbm>> -> memref<80x125xi32, #tpu.memory_space<hbm>>
      %dma_wait3A_66 = arith.constant 0 : i32
      %dma_wait3A_67 = tpu.memref_slice %arg4[%mul3A_2, %dma_wait3A_66] : memref<2560x125xi32, #tpu.memory_space<hbm>> -> memref<80x125xi32, #tpu.memory_space<hbm>>
      tpu.wait_dma2 semaphore(%run_scoped3A_59 : memref<!tpu.dma_semaphore, #tpu.memory_space<semaphore_mem>>) src(%dma_wait3A_67 : memref<80x125xi32, #tpu.memory_space<hbm>>) dst(%arg13 : memref<80x125xi32, #tpu.memory_space<vmem>>)
      tpu.yield
    }) : () -> ()
    %mul3A_3 = arith.constant 10000 : i32
    %mul3A_4 = arith.muli %add3A, %mul3A_3 : i32
    "tpu.region"() ({
      %run_scoped3A_59 = tpu.sem_alloc : memref<!tpu.dma_semaphore, #tpu.memory_space<semaphore_mem>>
      %dma_start3A_60 = tpu.memref_slice %arg5[%mul3A_4] : memref<320000xi32, #tpu.memory_space<hbm>> -> memref<10000xi32, #tpu.memory_space<hbm>>
      %dma_start3A_61 = tpu.memref_slice %arg5[%mul3A_4] : memref<320000xi32, #tpu.memory_space<hbm>> -> memref<10000xi32, #tpu.memory_space<hbm>>
      tpu.enqueue_dma source(%dma_start3A_61 : memref<10000xi32, #tpu.memory_space<hbm>>) target(%arg16 : memref<10000xi32, #tpu.memory_space<vmem>>) target_semaphore(%run_scoped3A_59 : memref<!tpu.dma_semaphore, #tpu.memory_space<semaphore_mem>>)
      %dma_wait3A_62 = tpu.memref_slice %arg5[%mul3A_4] : memref<320000xi32, #tpu.memory_space<hbm>> -> memref<10000xi32, #tpu.memory_space<hbm>>
      %dma_wait3A_63 = tpu.memref_slice %arg5[%mul3A_4] : memref<320000xi32, #tpu.memory_space<hbm>> -> memref<10000xi32, #tpu.memory_space<hbm>>
      tpu.wait_dma2 semaphore(%run_scoped3A_59 : memref<!tpu.dma_semaphore, #tpu.memory_space<semaphore_mem>>) src(%dma_wait3A_63 : memref<10000xi32, #tpu.memory_space<hbm>>) dst(%arg16 : memref<10000xi32, #tpu.memory_space<vmem>>)
      tpu.yield
    }) : () -> ()
    %mul3A_5 = arith.constant 10000 : i32
    %mul3A_6 = arith.muli %add3A, %mul3A_5 : i32
    "tpu.region"() ({
      %run_scoped3A_59 = tpu.sem_alloc : memref<!tpu.dma_semaphore, #tpu.memory_space<semaphore_mem>>
      %dma_start3A_60 = tpu.memref_slice %arg6[%mul3A_6] : memref<320000xi32, #tpu.memory_space<hbm>> -> memref<10000xi32, #tpu.memory_space<hbm>>
      %dma_start3A_61 = tpu.memref_slice %arg6[%mul3A_6] : memref<320000xi32, #tpu.memory_space<hbm>> -> memref<10000xi32, #tpu.memory_space<hbm>>
      tpu.enqueue_dma source(%dma_start3A_61 : memref<10000xi32, #tpu.memory_space<hbm>>) target(%arg17 : memref<10000xi32, #tpu.memory_space<vmem>>) target_semaphore(%run_scoped3A_59 : memref<!tpu.dma_semaphore, #tpu.memory_space<semaphore_mem>>)
      %dma_wait3A_62 = tpu.memref_slice %arg6[%mul3A_6] : memref<320000xi32, #tpu.memory_space<hbm>> -> memref<10000xi32, #tpu.memory_space<hbm>>
      %dma_wait3A_63 = tpu.memref_slice %arg6[%mul3A_6] : memref<320000xi32, #tpu.memory_space<hbm>> -> memref<10000xi32, #tpu.memory_space<hbm>>
      tpu.wait_dma2 semaphore(%run_scoped3A_59 : memref<!tpu.dma_semaphore, #tpu.memory_space<semaphore_mem>>) src(%dma_wait3A_63 : memref<10000xi32, #tpu.memory_space<hbm>>) dst(%arg17 : memref<10000xi32, #tpu.memory_space<vmem>>)
      tpu.yield
    }) : () -> ()
    "tpu.region"() ({
      %run_scoped3A_59 = tpu.sem_alloc : memref<!tpu.dma_semaphore, #tpu.memory_space<semaphore_mem>>
      %dma_start3A_60 = arith.constant 0 : i32
      %dma_start3A_61 = tpu.memref_slice %arg8[%dma_start3A_60] : memref<10000xf32, #tpu.memory_space<hbm>> -> memref<10000xf32, #tpu.memory_space<hbm>>
      %dma_start3A_62 = arith.constant 0 : i32
      %dma_start3A_63 = tpu.memref_slice %arg8[%dma_start3A_62] : memref<10000xf32, #tpu.memory_space<hbm>> -> memref<10000xf32, #tpu.memory_space<hbm>>
      tpu.enqueue_dma source(%dma_start3A_63 : memref<10000xf32, #tpu.memory_space<hbm>>) target(%arg18 : memref<10000xf32, #tpu.memory_space<vmem>>) target_semaphore(%run_scoped3A_59 : memref<!tpu.dma_semaphore, #tpu.memory_space<semaphore_mem>>)
      %dma_wait3A_64 = arith.constant 0 : i32
      %dma_wait3A_65 = tpu.memref_slice %arg8[%dma_wait3A_64] : memref<10000xf32, #tpu.memory_space<hbm>> -> memref<10000xf32, #tpu.memory_space<hbm>>
      %dma_wait3A_66 = arith.constant 0 : i32
      %dma_wait3A_67 = tpu.memref_slice %arg8[%dma_wait3A_66] : memref<10000xf32, #tpu.memory_space<hbm>> -> memref<10000xf32, #tpu.memory_space<hbm>>
      tpu.wait_dma2 semaphore(%run_scoped3A_59 : memref<!tpu.dma_semaphore, #tpu.memory_space<semaphore_mem>>) src(%dma_wait3A_67 : memref<10000xf32, #tpu.memory_space<hbm>>) dst(%arg18 : memref<10000xf32, #tpu.memory_space<vmem>>)
      tpu.yield
    }) : () -> ()
    "tpu.region"() ({
      %run_scoped3A_59 = tpu.sem_alloc : memref<!tpu.dma_semaphore, #tpu.memory_space<semaphore_mem>>
      %dma_start3A_60 = arith.constant 0 : i32
      %dma_start3A_61 = tpu.memref_slice %arg8[%dma_start3A_60] : memref<10000xf32, #tpu.memory_space<hbm>> -> memref<2048xf32, #tpu.memory_space<hbm>>
      %dma_start3A_62 = arith.constant 0 : i32
      %dma_start3A_63 = tpu.memref_slice %arg8[%dma_start3A_62] : memref<10000xf32, #tpu.memory_space<hbm>> -> memref<2048xf32, #tpu.memory_space<hbm>>
      tpu.enqueue_dma source(%dma_start3A_63 : memref<2048xf32, #tpu.memory_space<hbm>>) target(%arg19 : memref<2048xf32, #tpu.memory_space<vmem>>) target_semaphore(%run_scoped3A_59 : memref<!tpu.dma_semaphore, #tpu.memory_space<semaphore_mem>>)
      %dma_wait3A_64 = arith.constant 0 : i32
      %dma_wait3A_65 = tpu.memref_slice %arg8[%dma_wait3A_64] : memref<10000xf32, #tpu.memory_space<hbm>> -> memref<2048xf32, #tpu.memory_space<hbm>>
      %dma_wait3A_66 = arith.constant 0 : i32
      %dma_wait3A_67 = tpu.memref_slice %arg8[%dma_wait3A_66] : memref<10000xf32, #tpu.memory_space<hbm>> -> memref<2048xf32, #tpu.memory_space<hbm>>
      tpu.wait_dma2 semaphore(%run_scoped3A_59 : memref<!tpu.dma_semaphore, #tpu.memory_space<semaphore_mem>>) src(%dma_wait3A_67 : memref<2048xf32, #tpu.memory_space<hbm>>) dst(%arg19 : memref<2048xf32, #tpu.memory_space<vmem>>)
      tpu.yield
    }) : () -> ()
    %mul3A_7 = arith.constant 128 : i32
    %mul3A_8 = arith.muli %arg1, %mul3A_7 : i32
    "tpu.region"() ({
      %run_scoped3A_59 = tpu.sem_alloc : memref<!tpu.dma_semaphore, #tpu.memory_space<semaphore_mem>>
      %dma_start3A_60 = arith.constant 0 : i32
      %dma_start3A_61 = tpu.memref_slice %arg20[%mul3A_8, %dma_start3A_60] : memref<2048x128xf32, #tpu.memory_space<vmem_shared>> -> memref<128x128xf32, #tpu.memory_space<vmem_shared>>
      %dma_start3A_62 = arith.constant 0 : i32
      %dma_start3A_63 = arith.constant 0 : i32
      %dma_start3A_64 = tpu.memref_slice %arg7[%dma_start3A_62, %dma_start3A_63] : memref<640x128xf32, #tpu.memory_space<hbm>> -> memref<128x128xf32, #tpu.memory_space<hbm>>
      tpu.enqueue_dma source(%dma_start3A_64 : memref<128x128xf32, #tpu.memory_space<hbm>>) target(%dma_start3A_61 : memref<128x128xf32, #tpu.memory_space<vmem_shared>>) target_semaphore(%run_scoped3A_59 : memref<!tpu.dma_semaphore, #tpu.memory_space<semaphore_mem>>)
      %dma_wait3A_65 = arith.constant 0 : i32
      %dma_wait3A_66 = tpu.memref_slice %arg20[%mul3A_8, %dma_wait3A_65] : memref<2048x128xf32, #tpu.memory_space<vmem_shared>> -> memref<128x128xf32, #tpu.memory_space<vmem_shared>>
      %dma_wait3A_67 = arith.constant 0 : i32
      %dma_wait3A_68 = arith.constant 0 : i32
      %dma_wait3A_69 = tpu.memref_slice %arg7[%dma_wait3A_67, %dma_wait3A_68] : memref<640x128xf32, #tpu.memory_space<hbm>> -> memref<128x128xf32, #tpu.memory_space<hbm>>
      tpu.wait_dma2 semaphore(%run_scoped3A_59 : memref<!tpu.dma_semaphore, #tpu.memory_space<semaphore_mem>>) src(%dma_wait3A_69 : memref<128x128xf32, #tpu.memory_space<hbm>>) dst(%dma_wait3A_66 : memref<128x128xf32, #tpu.memory_space<vmem_shared>>)
      tpu.yield
    }) : () -> ()
    %barrier3A = arith.constant 0 : index
    tpu.barrier barrier_id(%barrier3A)
    %dma_start3A = arith.constant 0 : i32
    %dma_start3A_9 = arith.constant 0 : i32
    %dma_start3A_10 = tpu.memref_slice %arg12[%dma_start3A, %dma_start3A_9] : memref<80x125xi32, #tpu.memory_space<vmem>> -> memref<1x125xi32, #tpu.memory_space<vmem>>
    %dma_start3A_11 = tpu.memref_squeeze %dma_start3A_10 : memref<1x125xi32, #tpu.memory_space<vmem>> -> memref<125xi32, #tpu.memory_space<vmem>>
    %dma_start3A_12 = arith.constant 0 : i32
    %dma_start3A_13 = arith.constant 0 : i32
    %dma_start3A_14 = tpu.memref_slice %arg2[%dma_start3A_12, %dma_start3A_13] : memref<10000x128xf32, #tpu.memory_space<hbm>> -> memref<10000x128xf32, #tpu.memory_space<hbm>>
    tpu.enqueue_indirect_dma source(%dma_start3A_14 : memref<10000x128xf32, #tpu.memory_space<hbm>>) target(%arg14 : memref<125x128xf32, #tpu.memory_space<vmem>>) offsets(%dma_start3A_11 : memref<125xi32, #tpu.memory_space<vmem>>) semaphore(%arg21 : memref<!tpu.dma_semaphore, #tpu.memory_space<semaphore_mem>>)
    %dma_start3A_15 = arith.constant 1 : i32
    %dma_start3A_16 = arith.constant 0 : i32
    %dma_start3A_17 = tpu.memref_slice %arg12[%dma_start3A_15, %dma_start3A_16] : memref<80x125xi32, #tpu.memory_space<vmem>> -> memref<1x125xi32, #tpu.memory_space<vmem>>
    %dma_start3A_18 = tpu.memref_squeeze %dma_start3A_17 : memref<1x125xi32, #tpu.memory_space<vmem>> -> memref<125xi32, #tpu.memory_space<vmem>>
    %dma_start3A_19 = arith.constant 0 : i32
    %dma_start3A_20 = arith.constant 0 : i32
    %dma_start3A_21 = tpu.memref_slice %arg2[%dma_start3A_19, %dma_start3A_20] : memref<10000x128xf32, #tpu.memory_space<hbm>> -> memref<10000x128xf32, #tpu.memory_space<hbm>>
    tpu.enqueue_indirect_dma source(%dma_start3A_21 : memref<10000x128xf32, #tpu.memory_space<hbm>>) target(%arg15 : memref<125x128xf32, #tpu.memory_space<vmem>>) offsets(%dma_start3A_18 : memref<125xi32, #tpu.memory_space<vmem>>) semaphore(%arg22 : memref<!tpu.dma_semaphore, #tpu.memory_space<semaphore_mem>>)
    %scan3A = arith.constant 0 : i32
    %scan3A_22 = arith.constant 0 : i32
    %scan3A_23 = arith.constant 39 : i32
    %scan3A_24 = arith.addi %scan3A_22, %scan3A_23 : i32
    %scan3A_25 = arith.constant 1 : i32
    scf.for %scan3A_59 = %scan3A_22 to %scan3A_24 step %scan3A_25  : i32 {
      %mul3A_60 = arith.constant 2 : i32
      %mul3A_61 = arith.muli %mul3A_60, %scan3A_59 : i32
      %mul3A_62 = arith.constant 256 : i32
      %mul3A_63 = arith.muli %scan3A_59, %mul3A_62 : i32
      %multiple_of3A = tpu.assume_multiple %mul3A_63, 16 : i32
      %add3A_64 = arith.constant 0 : i32
      %add3A_65 = arith.addi %multiple_of3A, %add3A_64 : i32
      %get3A_66 = arith.index_cast %add3A_65 : i32 to index
      %get3A_67 = tpu.vector_load %arg16[%get3A_66] {strides = array<i32>} : memref<10000xi32, #tpu.memory_space<vmem>>, vector<16xi32>,
      %broadcast_in_dim3A_68 = arith.constant true
      %broadcast_in_dim3A_69 = vector.broadcast %broadcast_in_dim3A_68 : i1 to vector<16xi1>
      %unique3A_70, %unique3A_71 = tpu.scan_count mask(%broadcast_in_dim3A_69 : vector<16xi1>) value(%get3A_67 : vector<16xi32>) : vector<16xi1>, vector<16xi32>
      %convert_element_type3A_72 = arith.sitofp %unique3A_71 : vector<16xi32> to vector<16xf32>
      tpu.vector_store_idx %arg18[%get3A_67], %convert_element_type3A_72 masked %unique3A_70 {add = true} : memref<10000xf32, #tpu.memory_space<vmem>>[vector<16xi32>], vector<16xf32>, vector<16xi1>
      %add3A_73 = arith.constant 0 : i32
      %add3A_74 = arith.addi %multiple_of3A, %add3A_73 : i32
      %get3A_75 = arith.index_cast %add3A_74 : i32 to index
      %get3A_76 = tpu.vector_load %arg17[%get3A_75] {strides = array<i32>} : memref<10000xi32, #tpu.memory_space<vmem>>, vector<16xi32>,
      %broadcast_in_dim3A_77 = arith.constant true
      %broadcast_in_dim3A_78 = vector.broadcast %broadcast_in_dim3A_77 : i1 to vector<16xi1>
      %unique3A_79, %unique3A_80 = tpu.scan_count mask(%broadcast_in_dim3A_78 : vector<16xi1>) value(%get3A_76 : vector<16xi32>) : vector<16xi1>, vector<16xi32>
      %convert_element_type3A_81 = arith.sitofp %unique3A_80 : vector<16xi32> to vector<16xf32>
      tpu.vector_store_idx %arg19[%get3A_76], %convert_element_type3A_81 masked %unique3A_79 {add = true} : memref<2048xf32, #tpu.memory_space<vmem>>[vector<16xi32>], vector<16xf32>, vector<16xi1>
      %add3A_82 = arith.constant 16 : i32
      %add3A_83 = arith.addi %multiple_of3A, %add3A_82 : i32
      %get3A_84 = arith.index_cast %add3A_83 : i32 to index
      %get3A_85 = tpu.vector_load %arg16[%get3A_84] {strides = array<i32>} : memref<10000xi32, #tpu.memory_space<vmem>>, vector<16xi32>,
      %broadcast_in_dim3A_86 = arith.constant true
      %broadcast_in_dim3A_87 = vector.broadcast %broadcast_in_dim3A_86 : i1 to vector<16xi1>
      %unique3A_88, %unique3A_89 = tpu.scan_count mask(%broadcast_in_dim3A_87 : vector<16xi1>) value(%get3A_85 : vector<16xi32>) : vector<16xi1>, vector<16xi32>
      %convert_element_type3A_90 = arith.sitofp %unique3A_89 : vector<16xi32> to vector<16xf32>
      tpu.vector_store_idx %arg18[%get3A_85], %convert_element_type3A_90 masked %unique3A_88 {add = true} : memref<10000xf32, #tpu.memory_space<vmem>>[vector<16xi32>], vector<16xf32>, vector<16xi1>
      %add3A_91 = arith.constant 16 : i32
      %add3A_92 = arith.addi %multiple_of3A, %add3A_91 : i32
      %get3A_93 = arith.index_cast %add3A_92 : i32 to index
      %get3A_94 = tpu.vector_load %arg17[%get3A_93] {strides = array<i32>} : memref<10000xi32, #tpu.memory_space<vmem>>, vector<16xi32>,
      %broadcast_in_dim3A_95 = arith.constant true
      %broadcast_in_dim3A_96 = vector.broadcast %broadcast_in_dim3A_95 : i1 to vector<16xi1>
      %unique3A_97, %unique3A_98 = tpu.scan_count mask(%broadcast_in_dim3A_96 : vector<16xi1>) value(%get3A_94 : vector<16xi32>) : vector<16xi1>, vector<16xi32>
      %convert_element_type3A_99 = arith.sitofp %unique3A_98 : vector<16xi32> to vector<16xf32>
      tpu.vector_store_idx %arg19[%get3A_94], %convert_element_type3A_99 masked %unique3A_97 {add = true} : memref<2048xf32, #tpu.memory_space<vmem>>[vector<16xi32>], vector<16xf32>, vector<16xi1>
      %add3A_100 = arith.constant 32 : i32
      %add3A_101 = arith.addi %multiple_of3A, %add3A_100 : i32
      %get3A_102 = arith.index_cast %add3A_101 : i32 to index
      %get3A_103 = tpu.vector_load %arg16[%get3A_102] {strides = array<i32>} : memref<10000xi32, #tpu.memory_space<vmem>>, vector<16xi32>,
      %broadcast_in_dim3A_104 = arith.constant true
      %broadcast_in_dim3A_105 = vector.broadcast %broadcast_in_dim3A_104 : i1 to vector<16xi1>
      %unique3A_106, %unique3A_107 = tpu.scan_count mask(%broadcast_in_dim3A_105 : vector<16xi1>) value(%get3A_103 : vector<16xi32>) : vector<16xi1>, vector<16xi32>
      %convert_element_type3A_108 = arith.sitofp %unique3A_107 : vector<16xi32> to vector<16xf32>
      tpu.vector_store_idx %arg18[%get3A_103], %convert_element_type3A_108 masked %unique3A_106 {add = true} : memref<10000xf32, #tpu.memory_space<vmem>>[vector<16xi32>], vector<16xf32>, vector<16xi1>
      %add3A_109 = arith.constant 32 : i32
      %add3A_110 = arith.addi %multiple_of3A, %add3A_109 : i32
      %get3A_111 = arith.index_cast %add3A_110 : i32 to index
      %get3A_112 = tpu.vector_load %arg17[%get3A_111] {strides = array<i32>} : memref<10000xi32, #tpu.memory_space<vmem>>, vector<16xi32>,
      %broadcast_in_dim3A_113 = arith.constant true
      %broadcast_in_dim3A_114 = vector.broadcast %broadcast_in_dim3A_113 : i1 to vector<16xi1>
      %unique3A_115, %unique3A_116 = tpu.scan_count mask(%broadcast_in_dim3A_114 : vector<16xi1>) value(%get3A_112 : vector<16xi32>) : vector<16xi1>, vector<16xi32>
      %convert_element_type3A_117 = arith.sitofp %unique3A_116 : vector<16xi32> to vector<16xf32>
      tpu.vector_store_idx %arg19[%get3A_112], %convert_element_type3A_117 masked %unique3A_115 {add = true} : memref<2048xf32, #tpu.memory_space<vmem>>[vector<16xi32>], vector<16xf32>, vector<16xi1>
      %add3A_118 = arith.constant 48 : i32
      %add3A_119 = arith.addi %multiple_of3A, %add3A_118 : i32
      %get3A_120 = arith.index_cast %add3A_119 : i32 to index
      %get3A_121 = tpu.vector_load %arg16[%get3A_120] {strides = array<i32>} : memref<10000xi32, #tpu.memory_space<vmem>>, vector<16xi32>,
      %broadcast_in_dim3A_122 = arith.constant true
      %broadcast_in_dim3A_123 = vector.broadcast %broadcast_in_dim3A_122 : i1 to vector<16xi1>
      %unique3A_124, %unique3A_125 = tpu.scan_count mask(%broadcast_in_dim3A_123 : vector<16xi1>) value(%get3A_121 : vector<16xi32>) : vector<16xi1>, vector<16xi32>
      %convert_element_type3A_126 = arith.sitofp %unique3A_125 : vector<16xi32> to vector<16xf32>
      tpu.vector_store_idx %arg18[%get3A_121], %convert_element_type3A_126 masked %unique3A_124 {add = true} : memref<10000xf32, #tpu.memory_space<vmem>>[vector<16xi32>], vector<16xf32>, vector<16xi1>
      %add3A_127 = arith.constant 48 : i32
      %add3A_128 = arith.addi %multiple_of3A, %add3A_127 : i32
      %get3A_129 = arith.index_cast %add3A_128 : i32 to index
      %get3A_130 = tpu.vector_load %arg17[%get3A_129] {strides = array<i32>} : memref<10000xi32, #tpu.memory_space<vmem>>, vector<16xi32>,
      %broadcast_in_dim3A_131 = arith.constant true
      %broadcast_in_dim3A_132 = vector.broadcast %broadcast_in_dim3A_131 : i1 to vector<16xi1>
      %unique3A_133, %unique3A_134 = tpu.scan_count mask(%broadcast_in_dim3A_132 : vector<16xi1>) value(%get3A_130 : vector<16xi32>) : vector<16xi1>, vector<16xi32>
      %convert_element_type3A_135 = arith.sitofp %unique3A_134 : vector<16xi32> to vector<16xf32>
      tpu.vector_store_idx %arg19[%get3A_130], %convert_element_type3A_135 masked %unique3A_133 {add = true} : memref<2048xf32, #tpu.memory_space<vmem>>[vector<16xi32>], vector<16xf32>, vector<16xi1>
      %add3A_136 = arith.constant 64 : i32
      %add3A_137 = arith.addi %multiple_of3A, %add3A_136 : i32
      %get3A_138 = arith.index_cast %add3A_137 : i32 to index
      %get3A_139 = tpu.vector_load %arg16[%get3A_138] {strides = array<i32>} : memref<10000xi32, #tpu.memory_space<vmem>>, vector<16xi32>,
      %broadcast_in_dim3A_140 = arith.constant true
      %broadcast_in_dim3A_141 = vector.broadcast %broadcast_in_dim3A_140 : i1 to vector<16xi1>
      %unique3A_142, %unique3A_143 = tpu.scan_count mask(%broadcast_in_dim3A_141 : vector<16xi1>) value(%get3A_139 : vector<16xi32>) : vector<16xi1>, vector<16xi32>
      %convert_element_type3A_144 = arith.sitofp %unique3A_143 : vector<16xi32> to vector<16xf32>
      tpu.vector_store_idx %arg18[%get3A_139], %convert_element_type3A_144 masked %unique3A_142 {add = true} : memref<10000xf32, #tpu.memory_space<vmem>>[vector<16xi32>], vector<16xf32>, vector<16xi1>
      %add3A_145 = arith.constant 64 : i32
      %add3A_146 = arith.addi %multiple_of3A, %add3A_145 : i32
      %get3A_147 = arith.index_cast %add3A_146 : i32 to index
      %get3A_148 = tpu.vector_load %arg17[%get3A_147] {strides = array<i32>} : memref<10000xi32, #tpu.memory_space<vmem>>, vector<16xi32>,
      %broadcast_in_dim3A_149 = arith.constant true
      %broadcast_in_dim3A_150 = vector.broadcast %broadcast_in_dim3A_149 : i1 to vector<16xi1>
      %unique3A_151, %unique3A_152 = tpu.scan_count mask(%broadcast_in_dim3A_150 : vector<16xi1>) value(%get3A_148 : vector<16xi32>) : vector<16xi1>, vector<16xi32>
      %convert_element_type3A_153 = arith.sitofp %unique3A_152 : vector<16xi32> to vector<16xf32>
      tpu.vector_store_idx %arg19[%get3A_148], %convert_element_type3A_153 masked %unique3A_151 {add = true} : memref<2048xf32, #tpu.memory_space<vmem>>[vector<16xi32>], vector<16xf32>, vector<16xi1>
      %add3A_154 = arith.constant 80 : i32
      %add3A_155 = arith.addi %multiple_of3A, %add3A_154 : i32
      %get3A_156 = arith.index_cast %add3A_155 : i32 to index
      %get3A_157 = tpu.vector_load %arg16[%get3A_156] {strides = array<i32>} : memref<10000xi32, #tpu.memory_space<vmem>>, vector<16xi32>,
      %broadcast_in_dim3A_158 = arith.constant true
      %broadcast_in_dim3A_159 = vector.broadcast %broadcast_in_dim3A_158 : i1 to vector<16xi1>
      %unique3A_160, %unique3A_161 = tpu.scan_count mask(%broadcast_in_dim3A_159 : vector<16xi1>) value(%get3A_157 : vector<16xi32>) : vector<16xi1>, vector<16xi32>
      %convert_element_type3A_162 = arith.sitofp %unique3A_161 : vector<16xi32> to vector<16xf32>
      tpu.vector_store_idx %arg18[%get3A_157], %convert_element_type3A_162 masked %unique3A_160 {add = true} : memref<10000xf32, #tpu.memory_space<vmem>>[vector<16xi32>], vector<16xf32>, vector<16xi1>
      %add3A_163 = arith.constant 80 : i32
      %add3A_164 = arith.addi %multiple_of3A, %add3A_163 : i32
      %get3A_165 = arith.index_cast %add3A_164 : i32 to index
      %get3A_166 = tpu.vector_load %arg17[%get3A_165] {strides = array<i32>} : memref<10000xi32, #tpu.memory_space<vmem>>, vector<16xi32>,
      %broadcast_in_dim3A_167 = arith.constant true
      %broadcast_in_dim3A_168 = vector.broadcast %broadcast_in_dim3A_167 : i1 to vector<16xi1>
      %unique3A_169, %unique3A_170 = tpu.scan_count mask(%broadcast_in_dim3A_168 : vector<16xi1>) value(%get3A_166 : vector<16xi32>) : vector<16xi1>, vector<16xi32>
      %convert_element_type3A_171 = arith.sitofp %unique3A_170 : vector<16xi32> to vector<16xf32>
      tpu.vector_store_idx %arg19[%get3A_166], %convert_element_type3A_171 masked %unique3A_169 {add = true} : memref<2048xf32, #tpu.memory_space<vmem>>[vector<16xi32>], vector<16xf32>, vector<16xi1>
      %add3A_172 = arith.constant 96 : i32
      %add3A_173 = arith.addi %multiple_of3A, %add3A_172 : i32
      %get3A_174 = arith.index_cast %add3A_173 : i32 to index
      %get3A_175 = tpu.vector_load %arg16[%get3A_174] {strides = array<i32>} : memref<10000xi32, #tpu.memory_space<vmem>>, vector<16xi32>,
      %broadcast_in_dim3A_176 = arith.constant true
      %broadcast_in_dim3A_177 = vector.broadcast %broadcast_in_dim3A_176 : i1 to vector<16xi1>
      %unique3A_178, %unique3A_179 = tpu.scan_count mask(%broadcast_in_dim3A_177 : vector<16xi1>) value(%get3A_175 : vector<16xi32>) : vector<16xi1>, vector<16xi32>
      %convert_element_type3A_180 = arith.sitofp %unique3A_179 : vector<16xi32> to vector<16xf32>
      tpu.vector_store_idx %arg18[%get3A_175], %convert_element_type3A_180 masked %unique3A_178 {add = true} : memref<10000xf32, #tpu.memory_space<vmem>>[vector<16xi32>], vector<16xf32>, vector<16xi1>
      %add3A_181 = arith.constant 96 : i32
      %add3A_182 = arith.addi %multiple_of3A, %add3A_181 : i32
      %get3A_183 = arith.index_cast %add3A_182 : i32 to index
      %get3A_184 = tpu.vector_load %arg17[%get3A_183] {strides = array<i32>} : memref<10000xi32, #tpu.memory_space<vmem>>, vector<16xi32>,
      %broadcast_in_dim3A_185 = arith.constant true
      %broadcast_in_dim3A_186 = vector.broadcast %broadcast_in_dim3A_185 : i1 to vector<16xi1>
      %unique3A_187, %unique3A_188 = tpu.scan_count mask(%broadcast_in_dim3A_186 : vector<16xi1>) value(%get3A_184 : vector<16xi32>) : vector<16xi1>, vector<16xi32>
      %convert_element_type3A_189 = arith.sitofp %unique3A_188 : vector<16xi32> to vector<16xf32>
      tpu.vector_store_idx %arg19[%get3A_184], %convert_element_type3A_189 masked %unique3A_187 {add = true} : memref<2048xf32, #tpu.memory_space<vmem>>[vector<16xi32>], vector<16xf32>, vector<16xi1>
      %add3A_190 = arith.constant 112 : i32
      %add3A_191 = arith.addi %multiple_of3A, %add3A_190 : i32
      %get3A_192 = arith.index_cast %add3A_191 : i32 to index
      %get3A_193 = tpu.vector_load %arg16[%get3A_192] {strides = array<i32>} : memref<10000xi32, #tpu.memory_space<vmem>>, vector<16xi32>,
      %broadcast_in_dim3A_194 = arith.constant true
      %broadcast_in_dim3A_195 = vector.broadcast %broadcast_in_dim3A_194 : i1 to vector<16xi1>
      %unique3A_196, %unique3A_197 = tpu.scan_count mask(%broadcast_in_dim3A_195 : vector<16xi1>) value(%get3A_193 : vector<16xi32>) : vector<16xi1>, vector<16xi32>
      %convert_element_type3A_198 = arith.sitofp %unique3A_197 : vector<16xi32> to vector<16xf32>
      tpu.vector_store_idx %arg18[%get3A_193], %convert_element_type3A_198 masked %unique3A_196 {add = true} : memref<10000xf32, #tpu.memory_space<vmem>>[vector<16xi32>], vector<16xf32>, vector<16xi1>
      %add3A_199 = arith.constant 112 : i32
      %add3A_200 = arith.addi %multiple_of3A, %add3A_199 : i32
      %get3A_201 = arith.index_cast %add3A_200 : i32 to index
      %get3A_202 = tpu.vector_load %arg17[%get3A_201] {strides = array<i32>} : memref<10000xi32, #tpu.memory_space<vmem>>, vector<16xi32>,
      %broadcast_in_dim3A_203 = arith.constant true
      %broadcast_in_dim3A_204 = vector.broadcast %broadcast_in_dim3A_203 : i1 to vector<16xi1>
      %unique3A_205, %unique3A_206 = tpu.scan_count mask(%broadcast_in_dim3A_204 : vector<16xi1>) value(%get3A_202 : vector<16xi32>) : vector<16xi1>, vector<16xi32>
      %convert_element_type3A_207 = arith.sitofp %unique3A_206 : vector<16xi32> to vector<16xf32>
      tpu.vector_store_idx %arg19[%get3A_202], %convert_element_type3A_207 masked %unique3A_205 {add = true} : memref<2048xf32, #tpu.memory_space<vmem>>[vector<16xi32>], vector<16xf32>, vector<16xi1>
      %add3A_208 = arith.constant 128 : i32
      %add3A_209 = arith.addi %multiple_of3A, %add3A_208 : i32
      %get3A_210 = arith.index_cast %add3A_209 : i32 to index
      %get3A_211 = tpu.vector_load %arg16[%get3A_210] {strides = array<i32>} : memref<10000xi32, #tpu.memory_space<vmem>>, vector<16xi32>,
      %broadcast_in_dim3A_212 = arith.constant true
      %broadcast_in_dim3A_213 = vector.broadcast %broadcast_in_dim3A_212 : i1 to vector<16xi1>
      %unique3A_214, %unique3A_215 = tpu.scan_count mask(%broadcast_in_dim3A_213 : vector<16xi1>) value(%get3A_211 : vector<16xi32>) : vector<16xi1>, vector<16xi32>
      %convert_element_type3A_216 = arith.sitofp %unique3A_215 : vector<16xi32> to vector<16xf32>
      tpu.vector_store_idx %arg18[%get3A_211], %convert_element_type3A_216 masked %unique3A_214 {add = true} : memref<10000xf32, #tpu.memory_space<vmem>>[vector<16xi32>], vector<16xf32>, vector<16xi1>
      %add3A_217 = arith.constant 128 : i32
      %add3A_218 = arith.addi %multiple_of3A, %add3A_217 : i32
      %get3A_219 = arith.index_cast %add3A_218 : i32 to index
      %get3A_220 = tpu.vector_load %arg17[%get3A_219] {strides = array<i32>} : memref<10000xi32, #tpu.memory_space<vmem>>, vector<16xi32>,
      %broadcast_in_dim3A_221 = arith.constant true
      %broadcast_in_dim3A_222 = vector.broadcast %broadcast_in_dim3A_221 : i1 to vector<16xi1>
      %unique3A_223, %unique3A_224 = tpu.scan_count mask(%broadcast_in_dim3A_222 : vector<16xi1>) value(%get3A_220 : vector<16xi32>) : vector<16xi1>, vector<16xi32>
      %convert_element_type3A_225 = arith.sitofp %unique3A_224 : vector<16xi32> to vector<16xf32>
      tpu.vector_store_idx %arg19[%get3A_220], %convert_element_type3A_225 masked %unique3A_223 {add = true} : memref<2048xf32, #tpu.memory_space<vmem>>[vector<16xi32>], vector<16xf32>, vector<16xi1>
      %add3A_226 = arith.constant 144 : i32
      %add3A_227 = arith.addi %multiple_of3A, %add3A_226 : i32
      %get3A_228 = arith.index_cast %add3A_227 : i32 to index
      %get3A_229 = tpu.vector_load %arg16[%get3A_228] {strides = array<i32>} : memref<10000xi32, #tpu.memory_space<vmem>>, vector<16xi32>,
      %broadcast_in_dim3A_230 = arith.constant true
      %broadcast_in_dim3A_231 = vector.broadcast %broadcast_in_dim3A_230 : i1 to vector<16xi1>
      %unique3A_232, %unique3A_233 = tpu.scan_count mask(%broadcast_in_dim3A_231 : vector<16xi1>) value(%get3A_229 : vector<16xi32>) : vector<16xi1>, vector<16xi32>
      %convert_element_type3A_234 = arith.sitofp %unique3A_233 : vector<16xi32> to vector<16xf32>
      tpu.vector_store_idx %arg18[%get3A_229], %convert_element_type3A_234 masked %unique3A_232 {add = true} : memref<10000xf32, #tpu.memory_space<vmem>>[vector<16xi32>], vector<16xf32>, vector<16xi1>
      %add3A_235 = arith.constant 144 : i32
      %add3A_236 = arith.addi %multiple_of3A, %add3A_235 : i32
      %get3A_237 = arith.index_cast %add3A_236 : i32 to index
      %get3A_238 = tpu.vector_load %arg17[%get3A_237] {strides = array<i32>} : memref<10000xi32, #tpu.memory_space<vmem>>, vector<16xi32>,
      %broadcast_in_dim3A_239 = arith.constant true
      %broadcast_in_dim3A_240 = vector.broadcast %broadcast_in_dim3A_239 : i1 to vector<16xi1>
      %unique3A_241, %unique3A_242 = tpu.scan_count mask(%broadcast_in_dim3A_240 : vector<16xi1>) value(%get3A_238 : vector<16xi32>) : vector<16xi1>, vector<16xi32>
      %convert_element_type3A_243 = arith.sitofp %unique3A_242 : vector<16xi32> to vector<16xf32>
      tpu.vector_store_idx %arg19[%get3A_238], %convert_element_type3A_243 masked %unique3A_241 {add = true} : memref<2048xf32, #tpu.memory_space<vmem>>[vector<16xi32>], vector<16xf32>, vector<16xi1>
      %add3A_244 = arith.constant 160 : i32
      %add3A_245 = arith.addi %multiple_of3A, %add3A_244 : i32
      %get3A_246 = arith.index_cast %add3A_245 : i32 to index
      %get3A_247 = tpu.vector_load %arg16[%get3A_246] {strides = array<i32>} : memref<10000xi32, #tpu.memory_space<vmem>>, vector<16xi32>,
      %broadcast_in_dim3A_248 = arith.constant true
      %broadcast_in_dim3A_249 = vector.broadcast %broadcast_in_dim3A_248 : i1 to vector<16xi1>
      %unique3A_250, %unique3A_251 = tpu.scan_count mask(%broadcast_in_dim3A_249 : vector<16xi1>) value(%get3A_247 : vector<16xi32>) : vector<16xi1>, vector<16xi32>
      %convert_element_type3A_252 = arith.sitofp %unique3A_251 : vector<16xi32> to vector<16xf32>
      tpu.vector_store_idx %arg18[%get3A_247], %convert_element_type3A_252 masked %unique3A_250 {add = true} : memref<10000xf32, #tpu.memory_space<vmem>>[vector<16xi32>], vector<16xf32>, vector<16xi1>
      %add3A_253 = arith.constant 160 : i32
      %add3A_254 = arith.addi %multiple_of3A, %add3A_253 : i32
      %get3A_255 = arith.index_cast %add3A_254 : i32 to index
      %get3A_256 = tpu.vector_load %arg17[%get3A_255] {strides = array<i32>} : memref<10000xi32, #tpu.memory_space<vmem>>, vector<16xi32>,
      %broadcast_in_dim3A_257 = arith.constant true
      %broadcast_in_dim3A_258 = vector.broadcast %broadcast_in_dim3A_257 : i1 to vector<16xi1>
      %unique3A_259, %unique3A_260 = tpu.scan_count mask(%broadcast_in_dim3A_258 : vector<16xi1>) value(%get3A_256 : vector<16xi32>) : vector<16xi1>, vector<16xi32>
      %convert_element_type3A_261 = arith.sitofp %unique3A_260 : vector<16xi32> to vector<16xf32>
      tpu.vector_store_idx %arg19[%get3A_256], %convert_element_type3A_261 masked %unique3A_259 {add = true} : memref<2048xf32, #tpu.memory_space<vmem>>[vector<16xi32>], vector<16xf32>, vector<16xi1>
      %add3A_262 = arith.constant 176 : i32
      %add3A_263 = arith.addi %multiple_of3A, %add3A_262 : i32
      %get3A_264 = arith.index_cast %add3A_263 : i32 to index
      %get3A_265 = tpu.vector_load %arg16[%get3A_264] {strides = array<i32>} : memref<10000xi32, #tpu.memory_space<vmem>>, vector<16xi32>,
      %broadcast_in_dim3A_266 = arith.constant true
      %broadcast_in_dim3A_267 = vector.broadcast %broadcast_in_dim3A_266 : i1 to vector<16xi1>
      %unique3A_268, %unique3A_269 = tpu.scan_count mask(%broadcast_in_dim3A_267 : vector<16xi1>) value(%get3A_265 : vector<16xi32>) : vector<16xi1>, vector<16xi32>
      %convert_element_type3A_270 = arith.sitofp %unique3A_269 : vector<16xi32> to vector<16xf32>
      tpu.vector_store_idx %arg18[%get3A_265], %convert_element_type3A_270 masked %unique3A_268 {add = true} : memref<10000xf32, #tpu.memory_space<vmem>>[vector<16xi32>], vector<16xf32>, vector<16xi1>
      %add3A_271 = arith.constant 176 : i32
      %add3A_272 = arith.addi %multiple_of3A, %add3A_271 : i32
      %get3A_273 = arith.index_cast %add3A_272 : i32 to index
      %get3A_274 = tpu.vector_load %arg17[%get3A_273] {strides = array<i32>} : memref<10000xi32, #tpu.memory_space<vmem>>, vector<16xi32>,
      %broadcast_in_dim3A_275 = arith.constant true
      %broadcast_in_dim3A_276 = vector.broadcast %broadcast_in_dim3A_275 : i1 to vector<16xi1>
      %unique3A_277, %unique3A_278 = tpu.scan_count mask(%broadcast_in_dim3A_276 : vector<16xi1>) value(%get3A_274 : vector<16xi32>) : vector<16xi1>, vector<16xi32>
      %convert_element_type3A_279 = arith.sitofp %unique3A_278 : vector<16xi32> to vector<16xf32>
      tpu.vector_store_idx %arg19[%get3A_274], %convert_element_type3A_279 masked %unique3A_277 {add = true} : memref<2048xf32, #tpu.memory_space<vmem>>[vector<16xi32>], vector<16xf32>, vector<16xi1>
      %add3A_280 = arith.constant 192 : i32
      %add3A_281 = arith.addi %multiple_of3A, %add3A_280 : i32
      %get3A_282 = arith.index_cast %add3A_281 : i32 to index
      %get3A_283 = tpu.vector_load %arg16[%get3A_282] {strides = array<i32>} : memref<10000xi32, #tpu.memory_space<vmem>>, vector<16xi32>,
      %broadcast_in_dim3A_284 = arith.constant true
      %broadcast_in_dim3A_285 = vector.broadcast %broadcast_in_dim3A_284 : i1 to vector<16xi1>
      %unique3A_286, %unique3A_287 = tpu.scan_count mask(%broadcast_in_dim3A_285 : vector<16xi1>) value(%get3A_283 : vector<16xi32>) : vector<16xi1>, vector<16xi32>
      %convert_element_type3A_288 = arith.sitofp %unique3A_287 : vector<16xi32> to vector<16xf32>
      tpu.vector_store_idx %arg18[%get3A_283], %convert_element_type3A_288 masked %unique3A_286 {add = true} : memref<10000xf32, #tpu.memory_space<vmem>>[vector<16xi32>], vector<16xf32>, vector<16xi1>
      %add3A_289 = arith.constant 192 : i32
      %add3A_290 = arith.addi %multiple_of3A, %add3A_289 : i32
      %get3A_291 = arith.index_cast %add3A_290 : i32 to index
      %get3A_292 = tpu.vector_load %arg17[%get3A_291] {strides = array<i32>} : memref<10000xi32, #tpu.memory_space<vmem>>, vector<16xi32>,
      %broadcast_in_dim3A_293 = arith.constant true
      %broadcast_in_dim3A_294 = vector.broadcast %broadcast_in_dim3A_293 : i1 to vector<16xi1>
      %unique3A_295, %unique3A_296 = tpu.scan_count mask(%broadcast_in_dim3A_294 : vector<16xi1>) value(%get3A_292 : vector<16xi32>) : vector<16xi1>, vector<16xi32>
      %convert_element_type3A_297 = arith.sitofp %unique3A_296 : vector<16xi32> to vector<16xf32>
      tpu.vector_store_idx %arg19[%get3A_292], %convert_element_type3A_297 masked %unique3A_295 {add = true} : memref<2048xf32, #tpu.memory_space<vmem>>[vector<16xi32>], vector<16xf32>, vector<16xi1>
      %add3A_298 = arith.constant 208 : i32
      %add3A_299 = arith.addi %multiple_of3A, %add3A_298 : i32
      %get3A_300 = arith.index_cast %add3A_299 : i32 to index
      %get3A_301 = tpu.vector_load %arg16[%get3A_300] {strides = array<i32>} : memref<10000xi32, #tpu.memory_space<vmem>>, vector<16xi32>,
      %broadcast_in_dim3A_302 = arith.constant true
      %broadcast_in_dim3A_303 = vector.broadcast %broadcast_in_dim3A_302 : i1 to vector<16xi1>
      %unique3A_304, %unique3A_305 = tpu.scan_count mask(%broadcast_in_dim3A_303 : vector<16xi1>) value(%get3A_301 : vector<16xi32>) : vector<16xi1>, vector<16xi32>
      %convert_element_type3A_306 = arith.sitofp %unique3A_305 : vector<16xi32> to vector<16xf32>
      tpu.vector_store_idx %arg18[%get3A_301], %convert_element_type3A_306 masked %unique3A_304 {add = true} : memref<10000xf32, #tpu.memory_space<vmem>>[vector<16xi32>], vector<16xf32>, vector<16xi1>
      %add3A_307 = arith.constant 208 : i32
      %add3A_308 = arith.addi %multiple_of3A, %add3A_307 : i32
      %get3A_309 = arith.index_cast %add3A_308 : i32 to index
      %get3A_310 = tpu.vector_load %arg17[%get3A_309] {strides = array<i32>} : memref<10000xi32, #tpu.memory_space<vmem>>, vector<16xi32>,
      %broadcast_in_dim3A_311 = arith.constant true
      %broadcast_in_dim3A_312 = vector.broadcast %broadcast_in_dim3A_311 : i1 to vector<16xi1>
      %unique3A_313, %unique3A_314 = tpu.scan_count mask(%broadcast_in_dim3A_312 : vector<16xi1>) value(%get3A_310 : vector<16xi32>) : vector<16xi1>, vector<16xi32>
      %convert_element_type3A_315 = arith.sitofp %unique3A_314 : vector<16xi32> to vector<16xf32>
      tpu.vector_store_idx %arg19[%get3A_310], %convert_element_type3A_315 masked %unique3A_313 {add = true} : memref<2048xf32, #tpu.memory_space<vmem>>[vector<16xi32>], vector<16xf32>, vector<16xi1>
      %add3A_316 = arith.constant 224 : i32
      %add3A_317 = arith.addi %multiple_of3A, %add3A_316 : i32
      %get3A_318 = arith.index_cast %add3A_317 : i32 to index
      %get3A_319 = tpu.vector_load %arg16[%get3A_318] {strides = array<i32>} : memref<10000xi32, #tpu.memory_space<vmem>>, vector<16xi32>,
      %broadcast_in_dim3A_320 = arith.constant true
      %broadcast_in_dim3A_321 = vector.broadcast %broadcast_in_dim3A_320 : i1 to vector<16xi1>
      %unique3A_322, %unique3A_323 = tpu.scan_count mask(%broadcast_in_dim3A_321 : vector<16xi1>) value(%get3A_319 : vector<16xi32>) : vector<16xi1>, vector<16xi32>
      %convert_element_type3A_324 = arith.sitofp %unique3A_323 : vector<16xi32> to vector<16xf32>
      tpu.vector_store_idx %arg18[%get3A_319], %convert_element_type3A_324 masked %unique3A_322 {add = true} : memref<10000xf32, #tpu.memory_space<vmem>>[vector<16xi32>], vector<16xf32>, vector<16xi1>
      %add3A_325 = arith.constant 224 : i32
      %add3A_326 = arith.addi %multiple_of3A, %add3A_325 : i32
      %get3A_327 = arith.index_cast %add3A_326 : i32 to index
      %get3A_328 = tpu.vector_load %arg17[%get3A_327] {strides = array<i32>} : memref<10000xi32, #tpu.memory_space<vmem>>, vector<16xi32>,
      %broadcast_in_dim3A_329 = arith.constant true
      %broadcast_in_dim3A_330 = vector.broadcast %broadcast_in_dim3A_329 : i1 to vector<16xi1>
      %unique3A_331, %unique3A_332 = tpu.scan_count mask(%broadcast_in_dim3A_330 : vector<16xi1>) value(%get3A_328 : vector<16xi32>) : vector<16xi1>, vector<16xi32>
      %convert_element_type3A_333 = arith.sitofp %unique3A_332 : vector<16xi32> to vector<16xf32>
      tpu.vector_store_idx %arg19[%get3A_328], %convert_element_type3A_333 masked %unique3A_331 {add = true} : memref<2048xf32, #tpu.memory_space<vmem>>[vector<16xi32>], vector<16xf32>, vector<16xi1>
      %add3A_334 = arith.constant 240 : i32
      %add3A_335 = arith.addi %multiple_of3A, %add3A_334 : i32
      %get3A_336 = arith.index_cast %add3A_335 : i32 to index
      %get3A_337 = tpu.vector_load %arg16[%get3A_336] {strides = array<i32>} : memref<10000xi32, #tpu.memory_space<vmem>>, vector<16xi32>,
      %broadcast_in_dim3A_338 = arith.constant true
      %broadcast_in_dim3A_339 = vector.broadcast %broadcast_in_dim3A_338 : i1 to vector<16xi1>
      %unique3A_340, %unique3A_341 = tpu.scan_count mask(%broadcast_in_dim3A_339 : vector<16xi1>) value(%get3A_337 : vector<16xi32>) : vector<16xi1>, vector<16xi32>
      %convert_element_type3A_342 = arith.sitofp %unique3A_341 : vector<16xi32> to vector<16xf32>
      tpu.vector_store_idx %arg18[%get3A_337], %convert_element_type3A_342 masked %unique3A_340 {add = true} : memref<10000xf32, #tpu.memory_space<vmem>>[vector<16xi32>], vector<16xf32>, vector<16xi1>
      %add3A_343 = arith.constant 240 : i32
      %add3A_344 = arith.addi %multiple_of3A, %add3A_343 : i32
      %get3A_345 = arith.index_cast %add3A_344 : i32 to index
      %get3A_346 = tpu.vector_load %arg17[%get3A_345] {strides = array<i32>} : memref<10000xi32, #tpu.memory_space<vmem>>, vector<16xi32>,
      %broadcast_in_dim3A_347 = arith.constant true
      %broadcast_in_dim3A_348 = vector.broadcast %broadcast_in_dim3A_347 : i1 to vector<16xi1>
      %unique3A_349, %unique3A_350 = tpu.scan_count mask(%broadcast_in_dim3A_348 : vector<16xi1>) value(%get3A_346 : vector<16xi32>) : vector<16xi1>, vector<16xi32>
      %convert_element_type3A_351 = arith.sitofp %unique3A_350 : vector<16xi32> to vector<16xf32>
      tpu.vector_store_idx %arg19[%get3A_346], %convert_element_type3A_351 masked %unique3A_349 {add = true} : memref<2048xf32, #tpu.memory_space<vmem>>[vector<16xi32>], vector<16xf32>, vector<16xi1>
      %dma_wait3A_352 = arith.constant 0 : i32
      %dma_wait3A_353 = tpu.memref_slice %arg12[%mul3A_61, %dma_wait3A_352] : memref<80x125xi32, #tpu.memory_space<vmem>> -> memref<1x125xi32, #tpu.memory_space<vmem>>
      %dma_wait3A_354 = tpu.memref_squeeze %dma_wait3A_353 : memref<1x125xi32, #tpu.memory_space<vmem>> -> memref<125xi32, #tpu.memory_space<vmem>>
      %dma_wait3A_355 = arith.constant 0 : i32
      %dma_wait3A_356 = arith.constant 0 : i32
      %dma_wait3A_357 = tpu.memref_slice %arg2[%dma_wait3A_355, %dma_wait3A_356] : memref<10000x128xf32, #tpu.memory_space<hbm>> -> memref<10000x128xf32, #tpu.memory_space<hbm>>
      tpu.wait_indirect_dma semaphore(%arg21 : memref<!tpu.dma_semaphore, #tpu.memory_space<semaphore_mem>>) src(%dma_wait3A_357 : memref<10000x128xf32, #tpu.memory_space<hbm>>) dst(%arg14 : memref<125x128xf32, #tpu.memory_space<vmem>>)
      "tpu.region"() ({
        %run_scoped3A_384 = tpu.sem_alloc : memref<!tpu.dma_semaphore, #tpu.memory_space<semaphore_mem>>
        %dma_start3A_385 = arith.constant 0 : i32
        %dma_start3A_386 = tpu.memref_slice %arg13[%mul3A_61, %dma_start3A_385] : memref<80x125xi32, #tpu.memory_space<vmem>> -> memref<1x125xi32, #tpu.memory_space<vmem>>
        %dma_start3A_387 = tpu.memref_squeeze %dma_start3A_386 : memref<1x125xi32, #tpu.memory_space<vmem>> -> memref<125xi32, #tpu.memory_space<vmem>>
        %dma_start3A_388 = arith.constant 0 : i32
        %dma_start3A_389 = arith.constant 0 : i32
        %dma_start3A_390 = tpu.memref_slice %arg20[%dma_start3A_388, %dma_start3A_389] : memref<2048x128xf32, #tpu.memory_space<vmem_shared>> -> memref<2048x128xf32, #tpu.memory_space<vmem_shared>>
        tpu.enqueue_indirect_dma source(%arg14 : memref<125x128xf32, #tpu.memory_space<vmem>>) target(%dma_start3A_390 : memref<2048x128xf32, #tpu.memory_space<vmem_shared>>) offsets(%dma_start3A_387 : memref<125xi32, #tpu.memory_space<vmem>>) semaphore(%run_scoped3A_384 : memref<!tpu.dma_semaphore, #tpu.memory_space<semaphore_mem>>) {add = true}
        %dma_wait3A_391 = arith.constant 0 : i32
        %dma_wait3A_392 = tpu.memref_slice %arg13[%mul3A_61, %dma_wait3A_391] : memref<80x125xi32, #tpu.memory_space<vmem>> -> memref<1x125xi32, #tpu.memory_space<vmem>>
        %dma_wait3A_393 = tpu.memref_squeeze %dma_wait3A_392 : memref<1x125xi32, #tpu.memory_space<vmem>> -> memref<125xi32, #tpu.memory_space<vmem>>
        %dma_wait3A_394 = arith.constant 0 : i32
        %dma_wait3A_395 = arith.constant 0 : i32
        %dma_wait3A_396 = tpu.memref_slice %arg20[%dma_wait3A_394, %dma_wait3A_395] : memref<2048x128xf32, #tpu.memory_space<vmem_shared>> -> memref<2048x128xf32, #tpu.memory_space<vmem_shared>>
        tpu.wait_indirect_dma semaphore(%run_scoped3A_384 : memref<!tpu.dma_semaphore, #tpu.memory_space<semaphore_mem>>) src(%arg14 : memref<125x128xf32, #tpu.memory_space<vmem>>) dst(%dma_wait3A_396 : memref<2048x128xf32, #tpu.memory_space<vmem_shared>>)
        tpu.yield
      }) : () -> ()
      %add3A_358 = arith.constant 2 : i32
      %add3A_359 = arith.addi %mul3A_61, %add3A_358 : i32
      %dma_start3A_360 = arith.constant 0 : i32
      %dma_start3A_361 = tpu.memref_slice %arg12[%add3A_359, %dma_start3A_360] : memref<80x125xi32, #tpu.memory_space<vmem>> -> memref<1x125xi32, #tpu.memory_space<vmem>>
      %dma_start3A_362 = tpu.memref_squeeze %dma_start3A_361 : memref<1x125xi32, #tpu.memory_space<vmem>> -> memref<125xi32, #tpu.memory_space<vmem>>
      %dma_start3A_363 = arith.constant 0 : i32
      %dma_start3A_364 = arith.constant 0 : i32
      %dma_start3A_365 = tpu.memref_slice %arg2[%dma_start3A_363, %dma_start3A_364] : memref<10000x128xf32, #tpu.memory_space<hbm>> -> memref<10000x128xf32, #tpu.memory_space<hbm>>
      tpu.enqueue_indirect_dma source(%dma_start3A_365 : memref<10000x128xf32, #tpu.memory_space<hbm>>) target(%arg14 : memref<125x128xf32, #tpu.memory_space<vmem>>) offsets(%dma_start3A_362 : memref<125xi32, #tpu.memory_space<vmem>>) semaphore(%arg21 : memref<!tpu.dma_semaphore, #tpu.memory_space<semaphore_mem>>)
      %add3A_366 = arith.constant 1 : i32
      %add3A_367 = arith.addi %mul3A_61, %add3A_366 : i32
      %dma_wait3A_368 = arith.constant 0 : i32
      %dma_wait3A_369 = tpu.memref_slice %arg12[%add3A_367, %dma_wait3A_368] : memref<80x125xi32, #tpu.memory_space<vmem>> -> memref<1x125xi32, #tpu.memory_space<vmem>>
      %dma_wait3A_370 = tpu.memref_squeeze %dma_wait3A_369 : memref<1x125xi32, #tpu.memory_space<vmem>> -> memref<125xi32, #tpu.memory_space<vmem>>
      %dma_wait3A_371 = arith.constant 0 : i32
      %dma_wait3A_372 = arith.constant 0 : i32
      %dma_wait3A_373 = tpu.memref_slice %arg2[%dma_wait3A_371, %dma_wait3A_372] : memref<10000x128xf32, #tpu.memory_space<hbm>> -> memref<10000x128xf32, #tpu.memory_space<hbm>>
      tpu.wait_indirect_dma semaphore(%arg22 : memref<!tpu.dma_semaphore, #tpu.memory_space<semaphore_mem>>) src(%dma_wait3A_373 : memref<10000x128xf32, #tpu.memory_space<hbm>>) dst(%arg15 : memref<125x128xf32, #tpu.memory_space<vmem>>)
      %add3A_374 = arith.constant 1 : i32
      %add3A_375 = arith.addi %mul3A_61, %add3A_374 : i32
      "tpu.region"() ({
        %run_scoped3A_384 = tpu.sem_alloc : memref<!tpu.dma_semaphore, #tpu.memory_space<semaphore_mem>>
        %dma_start3A_385 = arith.constant 0 : i32
        %dma_start3A_386 = tpu.memref_slice %arg13[%add3A_375, %dma_start3A_385] : memref<80x125xi32, #tpu.memory_space<vmem>> -> memref<1x125xi32, #tpu.memory_space<vmem>>
        %dma_start3A_387 = tpu.memref_squeeze %dma_start3A_386 : memref<1x125xi32, #tpu.memory_space<vmem>> -> memref<125xi32, #tpu.memory_space<vmem>>
        %dma_start3A_388 = arith.constant 0 : i32
        %dma_start3A_389 = arith.constant 0 : i32
        %dma_start3A_390 = tpu.memref_slice %arg20[%dma_start3A_388, %dma_start3A_389] : memref<2048x128xf32, #tpu.memory_space<vmem_shared>> -> memref<2048x128xf32, #tpu.memory_space<vmem_shared>>
        tpu.enqueue_indirect_dma source(%arg15 : memref<125x128xf32, #tpu.memory_space<vmem>>) target(%dma_start3A_390 : memref<2048x128xf32, #tpu.memory_space<vmem_shared>>) offsets(%dma_start3A_387 : memref<125xi32, #tpu.memory_space<vmem>>) semaphore(%run_scoped3A_384 : memref<!tpu.dma_semaphore, #tpu.memory_space<semaphore_mem>>) {add = true}
        %dma_wait3A_391 = arith.constant 0 : i32
        %dma_wait3A_392 = tpu.memref_slice %arg13[%add3A_375, %dma_wait3A_391] : memref<80x125xi32, #tpu.memory_space<vmem>> -> memref<1x125xi32, #tpu.memory_space<vmem>>
        %dma_wait3A_393 = tpu.memref_squeeze %dma_wait3A_392 : memref<1x125xi32, #tpu.memory_space<vmem>> -> memref<125xi32, #tpu.memory_space<vmem>>
        %dma_wait3A_394 = arith.constant 0 : i32
        %dma_wait3A_395 = arith.constant 0 : i32
        %dma_wait3A_396 = tpu.memref_slice %arg20[%dma_wait3A_394, %dma_wait3A_395] : memref<2048x128xf32, #tpu.memory_space<vmem_shared>> -> memref<2048x128xf32, #tpu.memory_space<vmem_shared>>
        tpu.wait_indirect_dma semaphore(%run_scoped3A_384 : memref<!tpu.dma_semaphore, #tpu.memory_space<semaphore_mem>>) src(%arg15 : memref<125x128xf32, #tpu.memory_space<vmem>>) dst(%dma_wait3A_396 : memref<2048x128xf32, #tpu.memory_space<vmem_shared>>)
        tpu.yield
      }) : () -> ()
      %add3A_376 = arith.constant 3 : i32
      %add3A_377 = arith.addi %mul3A_61, %add3A_376 : i32
      %dma_start3A_378 = arith.constant 0 : i32
      %dma_start3A_379 = tpu.memref_slice %arg12[%add3A_377, %dma_start3A_378] : memref<80x125xi32, #tpu.memory_space<vmem>> -> memref<1x125xi32, #tpu.memory_space<vmem>>
      %dma_start3A_380 = tpu.memref_squeeze %dma_start3A_379 : memref<1x125xi32, #tpu.memory_space<vmem>> -> memref<125xi32, #tpu.memory_space<vmem>>
      %dma_start3A_381 = arith.constant 0 : i32
      %dma_start3A_382 = arith.constant 0 : i32
      %dma_start3A_383 = tpu.memref_slice %arg2[%dma_start3A_381, %dma_start3A_382] : memref<10000x128xf32, #tpu.memory_space<hbm>> -> memref<10000x128xf32, #tpu.memory_space<hbm>>
      tpu.enqueue_indirect_dma source(%dma_start3A_383 : memref<10000x128xf32, #tpu.memory_space<hbm>>) target(%arg15 : memref<125x128xf32, #tpu.memory_space<vmem>>) offsets(%dma_start3A_380 : memref<125xi32, #tpu.memory_space<vmem>>) semaphore(%arg22 : memref<!tpu.dma_semaphore, #tpu.memory_space<semaphore_mem>>)
    }
    %scan3A_26 = arith.constant 39 : i32
    %dma_wait3A = arith.constant 78 : i32
    %dma_wait3A_27 = arith.constant 0 : i32
    %dma_wait3A_28 = tpu.memref_slice %arg12[%dma_wait3A, %dma_wait3A_27] : memref<80x125xi32, #tpu.memory_space<vmem>> -> memref<1x125xi32, #tpu.memory_space<vmem>>
    %dma_wait3A_29 = tpu.memref_squeeze %dma_wait3A_28 : memref<1x125xi32, #tpu.memory_space<vmem>> -> memref<125xi32, #tpu.memory_space<vmem>>
    %dma_wait3A_30 = arith.constant 0 : i32
    %dma_wait3A_31 = arith.constant 0 : i32
    %dma_wait3A_32 = tpu.memref_slice %arg2[%dma_wait3A_30, %dma_wait3A_31] : memref<10000x128xf32, #tpu.memory_space<hbm>> -> memref<10000x128xf32, #tpu.memory_space<hbm>>
    tpu.wait_indirect_dma semaphore(%arg21 : memref<!tpu.dma_semaphore, #tpu.memory_space<semaphore_mem>>) src(%dma_wait3A_32 : memref<10000x128xf32, #tpu.memory_space<hbm>>) dst(%arg14 : memref<125x128xf32, #tpu.memory_space<vmem>>)
    %run_scoped3A = arith.constant 78 : i32
    "tpu.region"() ({
      %run_scoped3A_59 = tpu.sem_alloc : memref<!tpu.dma_semaphore, #tpu.memory_space<semaphore_mem>>
      %dma_start3A_60 = arith.constant 0 : i32
      %dma_start3A_61 = tpu.memref_slice %arg13[%run_scoped3A, %dma_start3A_60] : memref<80x125xi32, #tpu.memory_space<vmem>> -> memref<1x125xi32, #tpu.memory_space<vmem>>
      %dma_start3A_62 = tpu.memref_squeeze %dma_start3A_61 : memref<1x125xi32, #tpu.memory_space<vmem>> -> memref<125xi32, #tpu.memory_space<vmem>>
      %dma_start3A_63 = arith.constant 0 : i32
      %dma_start3A_64 = arith.constant 0 : i32
      %dma_start3A_65 = tpu.memref_slice %arg20[%dma_start3A_63, %dma_start3A_64] : memref<2048x128xf32, #tpu.memory_space<vmem_shared>> -> memref<2048x128xf32, #tpu.memory_space<vmem_shared>>
      tpu.enqueue_indirect_dma source(%arg14 : memref<125x128xf32, #tpu.memory_space<vmem>>) target(%dma_start3A_65 : memref<2048x128xf32, #tpu.memory_space<vmem_shared>>) offsets(%dma_start3A_62 : memref<125xi32, #tpu.memory_space<vmem>>) semaphore(%run_scoped3A_59 : memref<!tpu.dma_semaphore, #tpu.memory_space<semaphore_mem>>) {add = true}
      %dma_wait3A_66 = arith.constant 0 : i32
      %dma_wait3A_67 = tpu.memref_slice %arg13[%run_scoped3A, %dma_wait3A_66] : memref<80x125xi32, #tpu.memory_space<vmem>> -> memref<1x125xi32, #tpu.memory_space<vmem>>
      %dma_wait3A_68 = tpu.memref_squeeze %dma_wait3A_67 : memref<1x125xi32, #tpu.memory_space<vmem>> -> memref<125xi32, #tpu.memory_space<vmem>>
      %dma_wait3A_69 = arith.constant 0 : i32
      %dma_wait3A_70 = arith.constant 0 : i32
      %dma_wait3A_71 = tpu.memref_slice %arg20[%dma_wait3A_69, %dma_wait3A_70] : memref<2048x128xf32, #tpu.memory_space<vmem_shared>> -> memref<2048x128xf32, #tpu.memory_space<vmem_shared>>
      tpu.wait_indirect_dma semaphore(%run_scoped3A_59 : memref<!tpu.dma_semaphore, #tpu.memory_space<semaphore_mem>>) src(%arg14 : memref<125x128xf32, #tpu.memory_space<vmem>>) dst(%dma_wait3A_71 : memref<2048x128xf32, #tpu.memory_space<vmem_shared>>)
      tpu.yield
    }) : () -> ()
    %dma_wait3A_33 = arith.constant 79 : i32
    %dma_wait3A_34 = arith.constant 0 : i32
    %dma_wait3A_35 = tpu.memref_slice %arg12[%dma_wait3A_33, %dma_wait3A_34] : memref<80x125xi32, #tpu.memory_space<vmem>> -> memref<1x125xi32, #tpu.memory_space<vmem>>
    %dma_wait3A_36 = tpu.memref_squeeze %dma_wait3A_35 : memref<1x125xi32, #tpu.memory_space<vmem>> -> memref<125xi32, #tpu.memory_space<vmem>>
    %dma_wait3A_37 = arith.constant 0 : i32
    %dma_wait3A_38 = arith.constant 0 : i32
    %dma_wait3A_39 = tpu.memref_slice %arg2[%dma_wait3A_37, %dma_wait3A_38] : memref<10000x128xf32, #tpu.memory_space<hbm>> -> memref<10000x128xf32, #tpu.memory_space<hbm>>
    tpu.wait_indirect_dma semaphore(%arg22 : memref<!tpu.dma_semaphore, #tpu.memory_space<semaphore_mem>>) src(%dma_wait3A_39 : memref<10000x128xf32, #tpu.memory_space<hbm>>) dst(%arg15 : memref<125x128xf32, #tpu.memory_space<vmem>>)
    %run_scoped3A_40 = arith.constant 79 : i32
    "tpu.region"() ({
      %run_scoped3A_59 = tpu.sem_alloc : memref<!tpu.dma_semaphore, #tpu.memory_space<semaphore_mem>>
      %dma_start3A_60 = arith.constant 0 : i32
      %dma_start3A_61 = tpu.memref_slice %arg13[%run_scoped3A_40, %dma_start3A_60] : memref<80x125xi32, #tpu.memory_space<vmem>> -> memref<1x125xi32, #tpu.memory_space<vmem>>
      %dma_start3A_62 = tpu.memref_squeeze %dma_start3A_61 : memref<1x125xi32, #tpu.memory_space<vmem>> -> memref<125xi32, #tpu.memory_space<vmem>>
      %dma_start3A_63 = arith.constant 0 : i32
      %dma_start3A_64 = arith.constant 0 : i32
      %dma_start3A_65 = tpu.memref_slice %arg20[%dma_start3A_63, %dma_start3A_64] : memref<2048x128xf32, #tpu.memory_space<vmem_shared>> -> memref<2048x128xf32, #tpu.memory_space<vmem_shared>>
      tpu.enqueue_indirect_dma source(%arg15 : memref<125x128xf32, #tpu.memory_space<vmem>>) target(%dma_start3A_65 : memref<2048x128xf32, #tpu.memory_space<vmem_shared>>) offsets(%dma_start3A_62 : memref<125xi32, #tpu.memory_space<vmem>>) semaphore(%run_scoped3A_59 : memref<!tpu.dma_semaphore, #tpu.memory_space<semaphore_mem>>) {add = true}
      %dma_wait3A_66 = arith.constant 0 : i32
      %dma_wait3A_67 = tpu.memref_slice %arg13[%run_scoped3A_40, %dma_wait3A_66] : memref<80x125xi32, #tpu.memory_space<vmem>> -> memref<1x125xi32, #tpu.memory_space<vmem>>
      %dma_wait3A_68 = tpu.memref_squeeze %dma_wait3A_67 : memref<1x125xi32, #tpu.memory_space<vmem>> -> memref<125xi32, #tpu.memory_space<vmem>>
      %dma_wait3A_69 = arith.constant 0 : i32
      %dma_wait3A_70 = arith.constant 0 : i32
      %dma_wait3A_71 = tpu.memref_slice %arg20[%dma_wait3A_69, %dma_wait3A_70] : memref<2048x128xf32, #tpu.memory_space<vmem_shared>> -> memref<2048x128xf32, #tpu.memory_space<vmem_shared>>
      tpu.wait_indirect_dma semaphore(%run_scoped3A_59 : memref<!tpu.dma_semaphore, #tpu.memory_space<semaphore_mem>>) src(%arg15 : memref<125x128xf32, #tpu.memory_space<vmem>>) dst(%dma_wait3A_71 : memref<2048x128xf32, #tpu.memory_space<vmem_shared>>)
      tpu.yield
    }) : () -> ()
    %get3A = arith.constant 9984 : index
    %get3A_41 = tpu.vector_load %arg16[%get3A] {strides = array<i32>} : memref<10000xi32, #tpu.memory_space<vmem>>, vector<16xi32>,
    %broadcast_in_dim3A = arith.constant true
    %broadcast_in_dim3A_42 = vector.broadcast %broadcast_in_dim3A : i1 to vector<16xi1>
    %unique3A, %unique3A_43 = tpu.scan_count mask(%broadcast_in_dim3A_42 : vector<16xi1>) value(%get3A_41 : vector<16xi32>) : vector<16xi1>, vector<16xi32>
    %convert_element_type3A = arith.sitofp %unique3A_43 : vector<16xi32> to vector<16xf32>
    tpu.vector_store_idx %arg18[%get3A_41], %convert_element_type3A masked %unique3A {add = true} : memref<10000xf32, #tpu.memory_space<vmem>>[vector<16xi32>], vector<16xf32>, vector<16xi1>
    %get3A_44 = arith.constant 9984 : index
    %get3A_45 = tpu.vector_load %arg17[%get3A_44] {strides = array<i32>} : memref<10000xi32, #tpu.memory_space<vmem>>, vector<16xi32>,
    %broadcast_in_dim3A_46 = arith.constant true
    %broadcast_in_dim3A_47 = vector.broadcast %broadcast_in_dim3A_46 : i1 to vector<16xi1>
    %unique3A_48, %unique3A_49 = tpu.scan_count mask(%broadcast_in_dim3A_47 : vector<16xi1>) value(%get3A_45 : vector<16xi32>) : vector<16xi1>, vector<16xi32>
    %convert_element_type3A_50 = arith.sitofp %unique3A_49 : vector<16xi32> to vector<16xf32>
    tpu.vector_store_idx %arg19[%get3A_45], %convert_element_type3A_50 masked %unique3A_48 {add = true} : memref<2048xf32, #tpu.memory_space<vmem>>[vector<16xi32>], vector<16xf32>, vector<16xi1>
    "tpu.region"() ({
      %run_scoped3A_59 = tpu.sem_alloc : memref<!tpu.dma_semaphore, #tpu.memory_space<semaphore_mem>>
      %dma_start3A_60 = arith.constant 0 : i32
      %dma_start3A_61 = tpu.memref_slice %arg10[%add3A, %dma_start3A_60] : memref<32x10000xf32, #tpu.memory_space<hbm>> -> memref<1x10000xf32, #tpu.memory_space<hbm>>
      %dma_start3A_62 = tpu.memref_squeeze %dma_start3A_61 : memref<1x10000xf32, #tpu.memory_space<hbm>> -> memref<10000xf32, #tpu.memory_space<hbm>>
      %dma_start3A_63 = arith.constant 0 : i32
      %dma_start3A_64 = tpu.memref_slice %arg10[%add3A, %dma_start3A_63] : memref<32x10000xf32, #tpu.memory_space<hbm>> -> memref<1x10000xf32, #tpu.memory_space<hbm>>
      %dma_start3A_65 = tpu.memref_squeeze %dma_start3A_64 : memref<1x10000xf32, #tpu.memory_space<hbm>> -> memref<10000xf32, #tpu.memory_space<hbm>>
      tpu.enqueue_dma source(%arg18 : memref<10000xf32, #tpu.memory_space<vmem>>) target(%dma_start3A_65 : memref<10000xf32, #tpu.memory_space<hbm>>) target_semaphore(%run_scoped3A_59 : memref<!tpu.dma_semaphore, #tpu.memory_space<semaphore_mem>>)
      %dma_wait3A_66 = arith.constant 0 : i32
      %dma_wait3A_67 = tpu.memref_slice %arg10[%add3A, %dma_wait3A_66] : memref<32x10000xf32, #tpu.memory_space<hbm>> -> memref<1x10000xf32, #tpu.memory_space<hbm>>
      %dma_wait3A_68 = tpu.memref_squeeze %dma_wait3A_67 : memref<1x10000xf32, #tpu.memory_space<hbm>> -> memref<10000xf32, #tpu.memory_space<hbm>>
      %dma_wait3A_69 = arith.constant 0 : i32
      %dma_wait3A_70 = tpu.memref_slice %arg10[%add3A, %dma_wait3A_69] : memref<32x10000xf32, #tpu.memory_space<hbm>> -> memref<1x10000xf32, #tpu.memory_space<hbm>>
      %dma_wait3A_71 = tpu.memref_squeeze %dma_wait3A_70 : memref<1x10000xf32, #tpu.memory_space<hbm>> -> memref<10000xf32, #tpu.memory_space<hbm>>
      tpu.wait_dma2 semaphore(%run_scoped3A_59 : memref<!tpu.dma_semaphore, #tpu.memory_space<semaphore_mem>>) src(%arg18 : memref<10000xf32, #tpu.memory_space<vmem>>) dst(%dma_wait3A_71 : memref<10000xf32, #tpu.memory_space<hbm>>)
      tpu.yield
    }) : () -> ()
    "tpu.region"() ({
      %run_scoped3A_59 = tpu.sem_alloc : memref<!tpu.dma_semaphore, #tpu.memory_space<semaphore_mem>>
      %dma_start3A_60 = arith.constant 0 : i32
      %dma_start3A_61 = tpu.memref_slice %arg11[%add3A, %dma_start3A_60] : memref<32x2048xf32, #tpu.memory_space<hbm>> -> memref<1x2048xf32, #tpu.memory_space<hbm>>
      %dma_start3A_62 = tpu.memref_squeeze %dma_start3A_61 : memref<1x2048xf32, #tpu.memory_space<hbm>> -> memref<2048xf32, #tpu.memory_space<hbm>>
      %dma_start3A_63 = arith.constant 0 : i32
      %dma_start3A_64 = tpu.memref_slice %arg11[%add3A, %dma_start3A_63] : memref<32x2048xf32, #tpu.memory_space<hbm>> -> memref<1x2048xf32, #tpu.memory_space<hbm>>
      %dma_start3A_65 = tpu.memref_squeeze %dma_start3A_64 : memref<1x2048xf32, #tpu.memory_space<hbm>> -> memref<2048xf32, #tpu.memory_space<hbm>>
      tpu.enqueue_dma source(%arg19 : memref<2048xf32, #tpu.memory_space<vmem>>) target(%dma_start3A_65 : memref<2048xf32, #tpu.memory_space<hbm>>) target_semaphore(%run_scoped3A_59 : memref<!tpu.dma_semaphore, #tpu.memory_space<semaphore_mem>>)
      %dma_wait3A_66 = arith.constant 0 : i32
      %dma_wait3A_67 = tpu.memref_slice %arg11[%add3A, %dma_wait3A_66] : memref<32x2048xf32, #tpu.memory_space<hbm>> -> memref<1x2048xf32, #tpu.memory_space<hbm>>
      %dma_wait3A_68 = tpu.memref_squeeze %dma_wait3A_67 : memref<1x2048xf32, #tpu.memory_space<hbm>> -> memref<2048xf32, #tpu.memory_space<hbm>>
      %dma_wait3A_69 = arith.constant 0 : i32
      %dma_wait3A_70 = tpu.memref_slice %arg11[%add3A, %dma_wait3A_69] : memref<32x2048xf32, #tpu.memory_space<hbm>> -> memref<1x2048xf32, #tpu.memory_space<hbm>>
      %dma_wait3A_71 = tpu.memref_squeeze %dma_wait3A_70 : memref<1x2048xf32, #tpu.memory_space<hbm>> -> memref<2048xf32, #tpu.memory_space<hbm>>
      tpu.wait_dma2 semaphore(%run_scoped3A_59 : memref<!tpu.dma_semaphore, #tpu.memory_space<semaphore_mem>>) src(%arg19 : memref<2048xf32, #tpu.memory_space<vmem>>) dst(%dma_wait3A_71 : memref<2048xf32, #tpu.memory_space<hbm>>)
      tpu.yield
    }) : () -> ()
    %barrier3A_51 = arith.constant 0 : index
    tpu.barrier barrier_id(%barrier3A_51)
    %mul3A_52 = arith.constant 128 : i32
    %mul3A_53 = arith.muli %arg1, %mul3A_52 : i32
    %mul3A_54 = arith.constant 2048 : i32
    %mul3A_55 = arith.muli %arg0, %mul3A_54 : i32
    %mul3A_56 = arith.constant 128 : i32
    %mul3A_57 = arith.muli %arg1, %mul3A_56 : i32
    %add3A_58 = arith.addi %mul3A_55, %mul3A_57 : i32
    "tpu.region"() ({
      %run_scoped3A_59 = tpu.sem_alloc : memref<!tpu.dma_semaphore, #tpu.memory_space<semaphore_mem>>
      %dma_start3A_60 = arith.constant 0 : i32
      %dma_start3A_61 = tpu.memref_slice %arg9[%add3A_58, %dma_start3A_60] : memref<4096x128xf32, #tpu.memory_space<hbm>> -> memref<128x128xf32, #tpu.memory_space<hbm>>
      %dma_start3A_62 = arith.constant 0 : i32
      %dma_start3A_63 = tpu.memref_slice %arg20[%mul3A_53, %dma_start3A_62] : memref<2048x128xf32, #tpu.memory_space<vmem_shared>> -> memref<128x128xf32, #tpu.memory_space<vmem_shared>>
      tpu.enqueue_dma source(%dma_start3A_63 : memref<128x128xf32, #tpu.memory_space<vmem_shared>>) target(%dma_start3A_61 : memref<128x128xf32, #tpu.memory_space<hbm>>) target_semaphore(%run_scoped3A_59 : memref<!tpu.dma_semaphore, #tpu.memory_space<semaphore_mem>>)
      %dma_wait3A_64 = arith.constant 0 : i32
      %dma_wait3A_65 = tpu.memref_slice %arg9[%add3A_58, %dma_wait3A_64] : memref<4096x128xf32, #tpu.memory_space<hbm>> -> memref<128x128xf32, #tpu.memory_space<hbm>>
      %dma_wait3A_66 = arith.constant 0 : i32
      %dma_wait3A_67 = tpu.memref_slice %arg20[%mul3A_53, %dma_wait3A_66] : memref<2048x128xf32, #tpu.memory_space<vmem_shared>> -> memref<128x128xf32, #tpu.memory_space<vmem_shared>>
      tpu.wait_dma2 semaphore(%run_scoped3A_59 : memref<!tpu.dma_semaphore, #tpu.memory_space<semaphore_mem>>) src(%dma_wait3A_67 : memref<128x128xf32, #tpu.memory_space<vmem_shared>>) dst(%dma_wait3A_65 : memref<128x128xf32, #tpu.memory_space<hbm>>)
      tpu.yield
    }) : () -> ()
    return
  }
}

module attributes {stable_mosaic.version = 14 : i64} {
  func.func @_msg_body(%arg0: i32, %arg1: memref<1000x128xf32, #tpu.memory_space<vmem>>, %arg2: memref<1000x3xf32, #tpu.memory_space<vmem>>, %arg3: memref<128x128xf32, #tpu.memory_space<vmem>>, %arg4: memref<1000x128xf32, #tpu.memory_space<vmem>>) attributes {dimension_semantics = [#tpu.dimension_semantics<arbitrary>], iteration_bounds = array<i64: 10>, scalar_prefetch = 0 : i64, scratch_operands = 0 : i64, tpu.core_type = #tpu.core_type<tc>, window_params = [{transform_indices = @transform_0, window_bounds = array<i64: 1000, 128>}, {transform_indices = @transform_1, window_bounds = array<i64: 1000, 3>}, {pipeline_mode = #tpu.pipeline_mode<synchronous>, transform_indices = @transform_2, window_bounds = array<i64: 128, 128>}, {transform_indices = @transform_3, window_bounds = array<i64: 1000, 128>}]} {
    %get3A = arith.constant 0 : index
    %get3A_0 = arith.constant 0 : index
    %get3A_1 = vector.load %arg1[%get3A, %get3A_0] : memref<1000x128xf32, #tpu.memory_space<vmem>>, vector<1000x128xf32>
    %get3A_2 = arith.constant 0 : index
    %get3A_3 = arith.constant 0 : index
    %get3A_4 = vector.load %arg2[%get3A_2, %get3A_3] : memref<1000x3xf32, #tpu.memory_space<vmem>>, vector<1000x1xf32>
    %get3A_5 = arith.constant 0 : index
    %get3A_6 = arith.constant 2 : index
    %get3A_7 = vector.load %arg2[%get3A_5, %get3A_6] : memref<1000x3xf32, #tpu.memory_space<vmem>>, vector<1000x1xf32>
    %add3A = arith.addf %get3A_4, %get3A_7 : vector<1000x1xf32>
    %get3A_8 = arith.constant 0 : index
    %get3A_9 = arith.constant 0 : index
    %get3A_10 = vector.load %arg3[%get3A_8, %get3A_9] : memref<128x128xf32, #tpu.memory_space<vmem>>, vector<128x128xf32>
    %dot_general3A = arith.constant dense<0.000000e+00> : vector<1000x128xf32>
    %dot_general3A_11 = tpu.matmul %get3A_1, %get3A_10, %dot_general3A {dimension_numbers = #tpu.dot_dimension_numbers<[1], [1], [0], [0], [0, 0, 1, 0], [], []>, transpose_lhs_hint = false} : vector<1000x128xf32>, vector<128x128xf32>, vector<1000x128xf32> -> vector<1000x128xf32>
    %mul3A = arith.constant 5.000000e-01 : f32
    %mul3A_12 = vector.broadcast %mul3A : f32 to vector<1000x128xf32>
    %mul3A_13 = arith.mulf %mul3A_12, %dot_general3A_11 : vector<1000x128xf32>
    %mul3A_14 = arith.constant 0.707106769 : f32
    %mul3A_15 = vector.broadcast %mul3A_14 : f32 to vector<1000x128xf32>
    %mul3A_16 = arith.mulf %dot_general3A_11, %mul3A_15 : vector<1000x128xf32>
    %erf3A = math.erf %mul3A_16 : vector<1000x128xf32>
    %add3A_17 = arith.constant 1.000000e+00 : f32
    %add3A_18 = vector.broadcast %add3A_17 : f32 to vector<1000x128xf32>
    %add3A_19 = arith.addf %add3A_18, %erf3A : vector<1000x128xf32>
    %mul3A_20 = arith.mulf %mul3A_13, %add3A_19 : vector<1000x128xf32>
    %mul3A_21 = vector.broadcast %add3A : vector<1000x1xf32> to vector<1000x128xf32>
    %mul3A_22 = arith.mulf %mul3A_20, %mul3A_21 : vector<1000x128xf32>
    %swap3A = arith.constant 0 : index
    %swap3A_23 = arith.constant 0 : index
    %swap3A_24 = vector.load %arg4[%swap3A, %swap3A_23] : memref<1000x128xf32, #tpu.memory_space<vmem>>, vector<1000x128xf32>
    tpu.vector_store %arg4[%swap3A, %swap3A_23], %mul3A_22 {strides = array<i32>} : memref<1000x128xf32, #tpu.memory_space<vmem>>, vector<1000x128xf32>,
    return
  }
  func.func @transform_0(%arg0: i32) -> (i32, i32) {
    %c0_i32 = arith.constant 0 : i32
    %c0_i32_0 = arith.constant 0 : i32
    return %arg0, %c0_i32 : i32, i32
  }
  func.func @transform_1(%arg0: i32) -> (i32, i32) {
    %c0_i32 = arith.constant 0 : i32
    %c0_i32_0 = arith.constant 0 : i32
    return %arg0, %c0_i32 : i32, i32
  }
  func.func @transform_2(%arg0: i32) -> (i32, i32) {
    %c0_i32 = arith.constant 0 : i32
    %c0_i32_0 = arith.constant 0 : i32
    %c0_i32_1 = arith.constant 0 : i32
    return %c0_i32, %c0_i32_0 : i32, i32
  }
  func.func @transform_3(%arg0: i32) -> (i32, i32) {
    %c0_i32 = arith.constant 0 : i32
    %c0_i32_0 = arith.constant 0 : i32
    return %arg0, %c0_i32 : i32, i32
  }
}

module attributes {stable_mosaic.version = 14 : i64} {
  func.func @_edge_body(%arg0: memref<4096x128xf32, #tpu.memory_space<vmem>>, %arg1: memref<32x2048xf32, #tpu.memory_space<vmem>>, %arg2: memref<32x10000xf32, #tpu.memory_space<vmem>>, %arg3: memref<2048x128xf32, #tpu.memory_space<vmem>>, %arg4: memref<10000x1xf32, #tpu.memory_space<vmem>>) attributes {dimension_semantics = [], scalar_prefetch = 0 : i64, scratch_operands = 0 : i64, tpu.core_type = #tpu.core_type<tc>} {
    %get3A = arith.constant 0 : index
    %get3A_0 = arith.constant 0 : index
    %get3A_1 = vector.load %arg0[%get3A, %get3A_0] : memref<4096x128xf32, #tpu.memory_space<vmem>>, vector<2048x128xf32>
    %get3A_2 = arith.constant 2048 : index
    %get3A_3 = arith.constant 0 : index
    %get3A_4 = vector.load %arg0[%get3A_2, %get3A_3] : memref<4096x128xf32, #tpu.memory_space<vmem>>, vector<2048x128xf32>
    %add3A = arith.addf %get3A_1, %get3A_4 : vector<2048x128xf32>
    %get3A_5 = arith.constant 0 : index
    %get3A_6 = arith.constant 0 : index
    %get3A_7 = vector.load %arg1[%get3A_5, %get3A_6] : memref<32x2048xf32, #tpu.memory_space<vmem>>, vector<32x2048xf32>
    %broadcast_in_dim3A = arith.constant 1.000000e+00 : f32
    %broadcast_in_dim3A_8 = vector.broadcast %broadcast_in_dim3A : f32 to vector<32x1xf32>
    %dot_general3A = arith.constant dense<0.000000e+00> : vector<2048x1xf32>
    %dot_general3A_9 = tpu.matmul %get3A_7, %broadcast_in_dim3A_8, %dot_general3A {dimension_numbers = #tpu.dot_dimension_numbers<[0], [0], [1], [1], [0, 1, 1, 1], [], []>, transpose_lhs_hint = false} : vector<32x2048xf32>, vector<32x1xf32>, vector<2048x1xf32> -> vector<2048x1xf32>
    %max3A = arith.constant 1.000000e+00 : f32
    %max3A_10 = vector.broadcast %max3A : f32 to vector<2048x1xf32>
    %max3A_11 = arith.maximumf %dot_general3A_9, %max3A_10 : vector<2048x1xf32>
    %div3A = vector.broadcast %max3A_11 : vector<2048x1xf32> to vector<2048x128xf32>
    %div3A_12 = arith.divf %add3A, %div3A : vector<2048x128xf32>
    %swap3A = arith.constant 0 : index
    %swap3A_13 = arith.constant 0 : index
    %swap3A_14 = vector.load %arg3[%swap3A, %swap3A_13] : memref<2048x128xf32, #tpu.memory_space<vmem>>, vector<2048x128xf32>
    tpu.vector_store %arg3[%swap3A, %swap3A_13], %div3A_12 {strides = array<i32>} : memref<2048x128xf32, #tpu.memory_space<vmem>>, vector<2048x128xf32>,
    %get3A_15 = arith.constant 0 : index
    %get3A_16 = arith.constant 0 : index
    %get3A_17 = vector.load %arg2[%get3A_15, %get3A_16] : memref<32x10000xf32, #tpu.memory_space<vmem>>, vector<32x10000xf32>
    %broadcast_in_dim3A_18 = arith.constant 1.000000e+00 : f32
    %broadcast_in_dim3A_19 = vector.broadcast %broadcast_in_dim3A_18 : f32 to vector<32x1xf32>
    %dot_general3A_20 = arith.constant dense<0.000000e+00> : vector<10000x1xf32>
    %dot_general3A_21 = tpu.matmul %get3A_17, %broadcast_in_dim3A_19, %dot_general3A_20 {dimension_numbers = #tpu.dot_dimension_numbers<[0], [0], [1], [1], [0, 1, 1, 1], [], []>, transpose_lhs_hint = false} : vector<32x10000xf32>, vector<32x1xf32>, vector<10000x1xf32> -> vector<10000x1xf32>
    %swap3A_22 = arith.constant 0 : index
    %swap3A_23 = arith.constant 0 : index
    %swap3A_24 = vector.load %arg4[%swap3A_22, %swap3A_23] : memref<10000x1xf32, #tpu.memory_space<vmem>>, vector<10000x1xf32>
    tpu.vector_store %arg4[%swap3A_22, %swap3A_23], %dot_general3A_21 {strides = array<i32>} : memref<10000x1xf32, #tpu.memory_space<vmem>>, vector<10000x1xf32>,
    return
  }
}

module attributes {stable_mosaic.version = 14 : i64} {
  func.func @_upd_body(%arg0: i32, %arg1: memref<1000x128xf32, #tpu.memory_space<vmem>>, %arg2: memref<1000x3xf32, #tpu.memory_space<vmem>>, %arg3: memref<128x128xf32, #tpu.memory_space<vmem>>, %arg4: memref<1x128xf32, #tpu.memory_space<vmem>>, %arg5: memref<1x1000x128xf32, #tpu.memory_space<vmem>>, %arg6: memref<1x1000x128xf32, #tpu.memory_space<vmem>>, %arg7: memref<1000x1xf32, #tpu.memory_space<vmem>>, %arg8: memref<1000x128xf32, #tpu.memory_space<vmem>>) attributes {dimension_semantics = [#tpu.dimension_semantics<arbitrary>], iteration_bounds = array<i64: 10>, scalar_prefetch = 0 : i64, scratch_operands = 0 : i64, tpu.core_type = #tpu.core_type<tc>, window_params = [{transform_indices = @transform_0, window_bounds = array<i64: 1000, 128>}, {transform_indices = @transform_1, window_bounds = array<i64: 1000, 3>}, {pipeline_mode = #tpu.pipeline_mode<synchronous>, transform_indices = @transform_2, window_bounds = array<i64: 128, 128>}, {pipeline_mode = #tpu.pipeline_mode<synchronous>, transform_indices = @transform_3, window_bounds = array<i64: 1, 128>}, {transform_indices = @transform_4, window_bounds = array<i64: 1, 1000, 128>}, {transform_indices = @transform_5, window_bounds = array<i64: 1, 1000, 128>}, {transform_indices = @transform_6, window_bounds = array<i64: 1000, 1>}, {transform_indices = @transform_7, window_bounds = array<i64: 1000, 128>}]} {
    %get3A = arith.constant 0 : index
    %get3A_0 = arith.constant 0 : index
    %get3A_1 = vector.load %arg1[%get3A, %get3A_0] : memref<1000x128xf32, #tpu.memory_space<vmem>>, vector<1000x128xf32>
    %get3A_2 = arith.constant 0 : index
    %get3A_3 = arith.constant 0 : index
    %get3A_4 = vector.load %arg2[%get3A_2, %get3A_3] : memref<1000x3xf32, #tpu.memory_space<vmem>>, vector<1000x1xf32>
    %get3A_5 = arith.constant 0 : index
    %get3A_6 = arith.constant 1 : index
    %get3A_7 = vector.load %arg2[%get3A_5, %get3A_6] : memref<1000x3xf32, #tpu.memory_space<vmem>>, vector<1000x1xf32>
    %add3A = arith.addf %get3A_4, %get3A_7 : vector<1000x1xf32>
    %get3A_8 = arith.constant 0 : index
    %get3A_9 = arith.constant 0 : index
    %get3A_10 = vector.load %arg7[%get3A_8, %get3A_9] : memref<1000x1xf32, #tpu.memory_space<vmem>>, vector<1000x1xf32>
    %max3A = arith.constant 1.000000e+00 : f32
    %max3A_11 = vector.broadcast %max3A : f32 to vector<1000x1xf32>
    %max3A_12 = arith.maximumf %get3A_10, %max3A_11 : vector<1000x1xf32>
    %get3A_13 = arith.constant 0 : index
    %get3A_14 = arith.constant 0 : index
    %get3A_15 = arith.constant 0 : index
    %get3A_16 = vector.load %arg5[%get3A_13, %get3A_14, %get3A_15] : memref<1x1000x128xf32, #tpu.memory_space<vmem>>, vector<1x1000x128xf32>
    %get3A_17 = vector.shape_cast %get3A_16 : vector<1x1000x128xf32> to vector<1000x128xf32>
    %get3A_18 = arith.constant 0 : index
    %get3A_19 = arith.constant 0 : index
    %get3A_20 = arith.constant 0 : index
    %get3A_21 = vector.load %arg6[%get3A_18, %get3A_19, %get3A_20] : memref<1x1000x128xf32, #tpu.memory_space<vmem>>, vector<1x1000x128xf32>
    %get3A_22 = vector.shape_cast %get3A_21 : vector<1x1000x128xf32> to vector<1000x128xf32>
    %add3A_23 = arith.addf %get3A_17, %get3A_22 : vector<1000x128xf32>
    %div3A = arith.divf %add3A, %max3A_12 : vector<1000x1xf32>
    %mul3A = vector.broadcast %div3A : vector<1000x1xf32> to vector<1000x128xf32>
    %mul3A_24 = arith.mulf %add3A_23, %mul3A : vector<1000x128xf32>
    %get3A_25 = arith.constant 0 : index
    %get3A_26 = arith.constant 0 : index
    %get3A_27 = vector.load %arg3[%get3A_25, %get3A_26] : memref<128x128xf32, #tpu.memory_space<vmem>>, vector<128x128xf32>
    %dot_general3A = arith.constant dense<0.000000e+00> : vector<1000x128xf32>
    %dot_general3A_28 = tpu.matmul %get3A_1, %get3A_27, %dot_general3A {dimension_numbers = #tpu.dot_dimension_numbers<[1], [1], [0], [0], [0, 0, 1, 0], [], []>, transpose_lhs_hint = false} : vector<1000x128xf32>, vector<128x128xf32>, vector<1000x128xf32> -> vector<1000x128xf32>
    %get3A_29 = arith.constant 0 : index
    %get3A_30 = arith.constant 0 : index
    %get3A_31 = vector.load %arg4[%get3A_29, %get3A_30] : memref<1x128xf32, #tpu.memory_space<vmem>>, vector<1x128xf32>
    %add3A_32 = vector.broadcast %get3A_31 : vector<1x128xf32> to vector<1000x128xf32>
    %add3A_33 = arith.addf %dot_general3A_28, %add3A_32 : vector<1000x128xf32>
    %add3A_34 = arith.addf %add3A_33, %mul3A_24 : vector<1000x128xf32>
    %mul3A_35 = arith.constant 5.000000e-01 : f32
    %mul3A_36 = vector.broadcast %mul3A_35 : f32 to vector<1000x128xf32>
    %mul3A_37 = arith.mulf %mul3A_36, %add3A_34 : vector<1000x128xf32>
    %mul3A_38 = arith.constant 0.707106769 : f32
    %mul3A_39 = vector.broadcast %mul3A_38 : f32 to vector<1000x128xf32>
    %mul3A_40 = arith.mulf %add3A_34, %mul3A_39 : vector<1000x128xf32>
    %erf3A = math.erf %mul3A_40 : vector<1000x128xf32>
    %add3A_41 = arith.constant 1.000000e+00 : f32
    %add3A_42 = vector.broadcast %add3A_41 : f32 to vector<1000x128xf32>
    %add3A_43 = arith.addf %add3A_42, %erf3A : vector<1000x128xf32>
    %mul3A_44 = arith.mulf %mul3A_37, %add3A_43 : vector<1000x128xf32>
    %swap3A = arith.constant 0 : index
    %swap3A_45 = arith.constant 0 : index
    %swap3A_46 = vector.load %arg8[%swap3A, %swap3A_45] : memref<1000x128xf32, #tpu.memory_space<vmem>>, vector<1000x128xf32>
    tpu.vector_store %arg8[%swap3A, %swap3A_45], %mul3A_44 {strides = array<i32>} : memref<1000x128xf32, #tpu.memory_space<vmem>>, vector<1000x128xf32>,
    return
  }
  func.func @transform_0(%arg0: i32) -> (i32, i32) {
    %c0_i32 = arith.constant 0 : i32
    %c0_i32_0 = arith.constant 0 : i32
    return %arg0, %c0_i32 : i32, i32
  }
  func.func @transform_1(%arg0: i32) -> (i32, i32) {
    %c0_i32 = arith.constant 0 : i32
    %c0_i32_0 = arith.constant 0 : i32
    return %arg0, %c0_i32 : i32, i32
  }
  func.func @transform_2(%arg0: i32) -> (i32, i32) {
    %c0_i32 = arith.constant 0 : i32
    %c0_i32_0 = arith.constant 0 : i32
    %c0_i32_1 = arith.constant 0 : i32
    return %c0_i32, %c0_i32_0 : i32, i32
  }
  func.func @transform_3(%arg0: i32) -> (i32, i32) {
    %c0_i32 = arith.constant 0 : i32
    %c0_i32_0 = arith.constant 0 : i32
    %c0_i32_1 = arith.constant 0 : i32
    return %c0_i32, %c0_i32_0 : i32, i32
  }
  func.func @transform_4(%arg0: i32) -> (i32, i32, i32) {
    %c0_i32 = arith.constant 0 : i32
    %c0_i32_0 = arith.constant 0 : i32
    %c0_i32_1 = arith.constant 0 : i32
    return %c0_i32, %arg0, %c0_i32_0 : i32, i32, i32
  }
  func.func @transform_5(%arg0: i32) -> (i32, i32, i32) {
    %c1_i32 = arith.constant 1 : i32
    %c0_i32 = arith.constant 0 : i32
    %c0_i32_0 = arith.constant 0 : i32
    return %c1_i32, %arg0, %c0_i32 : i32, i32, i32
  }
  func.func @transform_6(%arg0: i32) -> (i32, i32) {
    %c0_i32 = arith.constant 0 : i32
    %c0_i32_0 = arith.constant 0 : i32
    return %arg0, %c0_i32 : i32, i32
  }
  func.func @transform_7(%arg0: i32) -> (i32, i32) {
    %c0_i32 = arith.constant 0 : i32
    %c0_i32_0 = arith.constant 0 : i32
    return %arg0, %c0_i32 : i32, i32
  }
}

</mosaic_0001>

<sc_bundles>
// kernel: kernel.10.cloned.1.call-start
scs
__scs_entry_jumppad:
0x0: {  	(pc) =	sbr.rel $0x88, $3  }
0x1: {  	(tag) =	ssettag $0x0;
	lr =	simm.s32 $0x1  }
0x2: {  	[smem:$0x3F9A] =	sst lr;
	_ =	strace $0xD0000000  }
0x3: {  	_ = 	snop  }
0x4: {  	_ = 	snop  }
0x5: {  	_ = 	snop  }
0x6: {  	_ = 	snop  }
0x7: {  	_ = 	snop  }
__scs_overlays_trampoline_lowered:
0x8: {  	[smem:$0x3FA9] =	sst s0  }
0x9: {  	[smem:$0x3FAA] =	sst s1  }
0xa: {  	[smem:$0x3FAB] =	sst s2  }
0xb: {  	[smem:$0x3FAC] =	sst s3  }
0xc: {  	[smem:$0x3FAD] =	sst s4  }
0xd: {  	[smem:$0x3FAE] =	sst s5  }
0xe: {  	[smem:$0x3FAF] =	sst s6  }
0xf: {  	[smem:$0x3FB0] =	sst s7  }
0x10: {  	[smem:$0x3FB1] =	sst s8  }
0x11: {  	[smem:$0x3FB2] =	sst s9;
	s0 =	simm.s32 @!p0 $0x0  }
0x12: {  	s1 =	sld [smem:$0x3F98];
	s0 =	simm.s32 @p0 $0x1  }
0x13: {  	[smem:$0x3FB3] =	sst s0;
	s0 =	simm.s32 @!p1 $0x0  }
0x14: {  	s2 =	sld [smem:$0x3F97];
	s0 =	simm.s32 @p1 $0x1  }
0x15: {  	[smem:$0x3FB4] =	sst s0;
	s0 =	simm.s32 @!p2 $0x0  }
0x16: {  	s3 =	sld [smem:$0x3FDB];
	s0 =	simm.s32 @p2 $0x1  }
0x17: {  	s4 =	simm.s32 $0x1BF5;
	[smem:$0x3FB6] =	sst s0  }
0x18: {  	s0 =	sld [smem:$0x3F99];
	_ =	swait.ge [sflag:s4], $0x0  }
0x19: {  	s7 =	sld [smem:$0x3F9A]  }
0x1a: {  	s8 =	sadd.s32 $0xFFFFE003, lr  }
0x1b: {  	s9 =	sadd.s32 $0xFFFFFEF7, lr;
	s5 =	simm.s32 $0xFFFFFFFF;
	p2 =	slt.u32 s8, $0xFFFFF086  }
0x1c: {  	p1 =	slt.u32 s9, $0xF7A;
	s5 =	simm.s32 @!p2 $0x0  }
0x1d: {  	s5 =	simm.s32 @p1 $0x1;
	p0 =	seq.s32 s7, s2  }
0x1e: {  	s7 =	smul.u32 @!p0 $0xF7A, s2;
	p2 =	seq.s32 @!p0 s5, $0x0  }
0x1f: {  	s9 =	smul.u32 $0xF7A, s1;
	s8 =	simm.s32 @!p0 $0x1BF5;
	p2 =	por !p2, p0  }
0x20: {  	[sflag:s8] =	ssyncset.s32 @!p0 $0xFFFFF086;
	s6 =	sadd.s32 @!p0 s3, s7;
	s7 =	simm.s32 @!p0 $0x108  }
0x21: {  	s3 =	sadd.s32 s3, s9;
	s6 =	sadd.s32 @!p0 $0x88, s6;
	s7 =	simm.s32 @p2 $0x1082  }
0x22: {  	[simem:s7], [sflag:s8] =	dma.local @!p0 [hbm:s6], $0xF7A  }
0x23: {  	s9 =	sor.u32 $0xD0000000, s2;
	s6 =	simm.s32 $0x108;
	_ =	swait.ge @!p0 [sflag:s8], $0x0  }
0x24: {  	s3 =	sadd.s32 $0x88, s3;
	s6 =	simm.s32 @!p1 $0x1082;
	[sflag:s4] =	ssyncset.s32 $0xFFFFF086  }
0x25: {  	[simem:s6], [sflag:s4] =	dma.local [hbm:s3], $0xF7A  }
0x26: {  	[smem:$0x3F9A] =	sst s1;
	(tag) =	ssettag s2;
	_ =	strace s9  }
0x27: {  	s1 =	sld [smem:$0x3FAA]  }
0x28: {  	s2 =	sld [smem:$0x3FAB]  }
0x29: {  	s4 =	sld [smem:$0x3FAD]  }
0x2a: {  	p0 =	seq.s32 s5, $0x0;
	s5 =	sld [smem:$0x3FAE]  }
0x2b: {  	s6 =	sld [smem:$0x3FAF]  }
0x2c: {  	s7 =	sld [smem:$0x3FB0]  }
0x2d: {  	s3 =	simm.s32 $0x108;
	s8 =	sld [smem:$0x3FB1]  }
0x2e: {  	s3 =	simm.s32 @!p0 $0x1082;
	s9 =	sld [smem:$0x3FB2]  }
0x2f: {  	lr =	sadd.s32 s0, s3;
	s0 =	sld [smem:$0x3FA9]  }
0x30: {  	s3 =	sld [smem:$0x3FAC]  }
0x31: {  	[smem:$0x3FB5] =	sst s10  }
0x32: {  	s10 =	sld [smem:$0x3FB3];
	_ =	sdelay $0x3  }
0x33: {  	p0 =	seq.s32 s10, $0x1;
	s10 =	sld [smem:$0x3FB5];
	_ =	sdelay $0x3  }
0x34: {  	[smem:$0x3FB5] =	sst s10  }
0x35: {  	s10 =	sld [smem:$0x3FB4];
	_ =	sdelay $0x3  }
0x36: {  	p1 =	seq.s32 s10, $0x1;
	s10 =	sld [smem:$0x3FB5];
	_ =	sdelay $0x3  }
0x37: {  	[smem:$0x3FB5] =	sst s10  }
0x38: {  	s10 =	sld [smem:$0x3FB6]  }
0x39: {  	_ = 	snop;
	(pc) =	sbr.ind lr, $3  }
0x3a: {  	_ = 	snop  }
0x3b: {  	_ = 	snop  }
0x3c: {  	p2 =	seq.s32 s10, $0x1;
	s10 =	sld [smem:$0x3FB5]  }
0x3d: {  	_ =	shalt  }
0x3e: {  	_ =	shalt  }
0x3f: {  	_ =	shalt  }
0x40: {  	_ =	shalt  }
0x41: {  	_ =	shalt  }
0x42: {  	_ =	shalt  }
0x43: {  	_ =	shalt  }
0x44: {  	_ =	shalt  }
0x45: {  	_ =	shalt  }
0x46: {  	_ =	shalt  }
0x47: {  	_ =	shalt  }
0x48: {  	_ =	shalt  }
0x49: {  	_ =	shalt  }
0x4a: {  	_ =	shalt  }
0x4b: {  	_ =	shalt  }
0x4c: {  	_ =	shalt  }
0x4d: {  	_ =	shalt  }
0x4e: {  	_ =	shalt  }
0x4f: {  	_ =	shalt  }
0x50: {  	_ =	shalt  }
0x51: {  	_ =	shalt  }
0x52: {  	_ =	shalt  }
0x53: {  	_ =	shalt  }
0x54: {  	_ =	shalt  }
0x55: {  	_ =	shalt  }
0x56: {  	_ =	shalt  }
0x57: {  	_ =	shalt  }
0x58: {  	_ =	shalt  }
0x59: {  	_ =	shalt  }
0x5a: {  	_ =	shalt  }
0x5b: {  	_ =	shalt  }
0x5c: {  	_ =	shalt  }
0x5d: {  	_ =	shalt  }
0x5e: {  	_ =	shalt  }
0x5f: {  	_ =	shalt  }
0x60: {  	_ =	shalt  }
0x61: {  	_ =	shalt  }
0x62: {  	_ =	shalt  }
0x63: {  	_ =	shalt  }
0x64: {  	_ =	shalt  }
0x65: {  	_ =	shalt  }
0x66: {  	_ =	shalt  }
0x67: {  	_ =	shalt  }
0x68: {  	_ =	shalt  }
0x69: {  	_ =	shalt  }
0x6a: {  	_ =	shalt  }
0x6b: {  	_ =	shalt  }
0x6c: {  	_ =	shalt  }
0x6d: {  	_ =	shalt  }
0x6e: {  	_ =	shalt  }
0x6f: {  	_ =	shalt  }
0x70: {  	_ =	shalt  }
0x71: {  	_ =	shalt  }
0x72: {  	_ =	shalt  }
0x73: {  	_ =	shalt  }
0x74: {  	_ =	shalt  }
0x75: {  	_ =	shalt  }
0x76: {  	_ =	shalt  }
0x77: {  	_ =	shalt  }
0x78: {  	_ =	shalt  }
0x79: {  	_ =	shalt  }
0x7a: {  	_ =	shalt  }
0x7b: {  	_ =	shalt  }
0x7c: {  	_ =	shalt  }
0x7d: {  	_ =	shalt  }
0x7e: {  	_ =	shalt  }
0x7f: {  	_ =	shalt  }
0x80: {  	_ =	shalt  }
0x81: {  	_ =	shalt  }
0x82: {  	_ =	shalt  }
0x83: {  	_ =	shalt  }
0x84: {  	_ =	shalt  }
0x85: {  	_ =	shalt  }
0x86: {  	_ =	shalt  }
0x87: {  	_ =	shalt  }
.Lfunc_end0:
.L_simem_size_0:
called_computation.1_lowered:
.L_overlay_start_0:
0x88: {  	s2 =	sld [smem:$0x3FD9]  }
0x89: {  	s3 =	sld [smem:$0x3FFE];
	_ =	sdelay $0x1  }
0x8a: {  	s1 =	srdreg.scid  }
0x8b: {  	s0 =	sand.u32 $0x1, s1  }
0x8c: {  	s17 =	sshll.u32 s0, $0xA;
	s2 =	sadd.s32 s3, s2  }
0x8d: {  	s2 =	sadd.s32 s2, s17  }
0x8e: {  	[smem:$0x3FC1] =	sst s2  }
0x8f: {  	_ = 	snop  }
0x90: {  	s2 =	sld [smem:$0x3FD0];
	(tm) =	ssettm $0x1  }
0x91: {  	s18 =	sld [smem:$0x3FFB];
	_ =	sdelay $0x3  }
0x92: {  	_ =	strace s18  }
0x93: {  	s3 =	sld [smem:$0x3FFC];
	_ =	sdelay $0x3  }
0x94: {  	_ =	strace s3  }
0x95: {  	s3 =	sld [smem:$0x3FFD];
	_ =	sdelay $0x3  }
0x96: {  	_ =	strace s3  }
0x97: {  	_ =	strace $0x8FFFFFFF  }
0x98: {  	s19 =	sld [smem:$0x3FDB];
	_ =	sdelay $0x1  }
0x99: {  	s4 =	simm.s32 $_scs_section_size  }
0x9a: {  	s5 =	simm.s32 $_size__tile_overlayer_lowered;
	s6 =	simm.s32 $_tile_overlayer_lowered  }
0x9b: {  	s22 =	simm.s32 $0x1BFF;
	s21 =	sshll.u32 s6, $0x1;
	s3 =	sadd.s32 s4, s19  }
0x9c: {  	s7 =	simm.s32 $0x0;
	s20 =	sshll.u32 s5, $0x1;
	s5 =	sadd.s32 s21, s3  }
0x9d: {  	[timem:s7], [sflag:s22] =	dma.local [hbm:s5], s20  }
0x9e: {  	_ =	swait.ge [sflag:s22], s20  }
0x9f: {  	s4 =	ssub.s32 $0x0, s20;
	[sflag:s22] =	ssyncset.done $0x0  }
0xa0: {  	[sflag:s22] =	ssyncadd.s32 s4;
	_ =	sdelay $0x1  }
0xa1: {  	s23 =	simm.s32 $0x1B8B  }
0xa2: {  	_ =	swait.ge [sflag:s23], $0x1  }
0xa3: {  	[sflag:s23] =	ssyncset.done $0x0  }
0xa4: {  	s25 =	simm.s32 $0x1B8E;
	s24 =	sld [smem:$0x3FFE];
	[sflag:s23] =	ssyncadd.s32 $0xFFFFFFFF  }
0xa5: {  	s26 =	simm.s32 $execute0_lowered;
	[smem:$0x3FD2] =	sst s25  }
0xa6: {  	s5 =	sshll.u32 s26, $0x1;
	_ =	strace $0x80000049;
	[dreg:$0x1] =	wrdreg $0xFFFFFFFF  }
0xa7: {  	s28 =	simm.s32 $_size_execute0_lowered;
	s3 =	sadd.s32 s3, s5;
	[dreg:$0x0] =	wrdreg $0x0  }
0xa8: {  	s5 =	sshll.u32 s28, $0x1;
	[dreg:$0x2] =	wrdreg s3  }
0xa9: {  	[dreg:$0x3] =	wrdreg s5  }
0xaa: {  	[dreg:$0x4] =	wrdreg $0xC0  }
0xab: {  	_ =	task [dreg:s7], $0x5FFFF  }
0xac: {  	[dreg:$0x1] =	wrdreg $0xFFFFFFFF  }
0xad: {  	[dreg:$0x0] =	wrdreg $0x60  }
0xae: {  	[dreg:$0x2] =	wrdreg s2  }
0xaf: {  	[dreg:$0x3] =	wrdreg s24  }
0xb0: {  	[dreg:$0x4] =	wrdreg $0xA8000  }
0xb1: {  	[dreg:$0x5] =	wrdreg $0x9  }
0xb2: {  	_ =	task.clear_ibuf [dreg:s7], $0x6FFFF;
	_ =	strace $0x90000049  }
0xb3: {  	s29 =	simm.s32 $0x9;
	_ =	strace $0x8000004B  }
0xb4: {  	_ =	swait.ge [sflag:s29], $0x1  }
0xb5: {  	[sflag:s29] =	ssyncadd.s32 $0xFFFFFFFF  }
0xb6: {  	_ =	strace $0x9000004B  }
0xb7: {  	_ =	sfence  }
0xb8: {  	s30 =	sld [smem:$0x0];
	_ =	sdelay $0x2  }
0xb9: {  	s31 =	sshll.u32 s1, $0xD;
	s1 =	sshrl.u32 s1, $0x2  }
0xba: {  	s3 =	sand.u32 $0x4000, s31;
	s1 =	sadd.s32 s1, s30  }
0xbb: {  	s0 =	sor.u32 s3, s0;
	s1 =	sshll.u32 s1, $0x11  }
0xbc: {  	s0 =	sor.u32 s1, s0  }
0xbd: {  	s0 =	sadd.s32 $0x8F2B, s0  }
0xbe: {  	[sflag:s0] =	ssyncadd.remote.s32 $0x1  }
0xbf: {  	_ =	sfence.sel $0xFFFF  }
0xc0: {  	[dreg:$0x0] =	wrdreg $0xFFFFFFFF;
	(pc) =	sbr.abs _section_cstart, $3  }
0xc1: {  	[dreg:$0x1] =	wrdreg $0xFFFFFFFF  }
0xc2: {  	_ =	task.clear_ibuf [dreg:s7], $0x2FFFF;
	_ =	strace $0x9FFFFFFF  }
0xc3: {  	(tm) =	ssettm $0x7FFFFFFF  }
tec
execute0_lowered:
.L_overlay_start_1:
0x0: {  	(tag) =	ssettag $0x1  }
0x1: {  	s1 =	rddreg [dreg:$0x0]  }
0x2: {  	s6 =	rddreg [dreg:$0x1]  }
0x3: {  	s2 =	rddreg [dreg:$0x2]  }
0x4: {  	s3 =	srdreg.scid;
	s0 =	rddreg [dreg:$0x3]  }
0x5: {  	s4 =	simm.s32 $0x0;
	s16 =	simm.s32 $0x7D;
	s17 =	simm.s32 $0x2800  }
0x6: {  	s18 =	simm.s32 $0x80;
	s19 =	simm.s32 $0x6800;
	s20 =	simm.s32 $0x1  }
0x7: {  	s21 =	simm.s32 $0x2;
	s22 =	simm.s32 $0x2700;
	s23 =	simm.s32 $0x2780  }
0x8: {  	s7 =	sand.u32 $0x1, s3;
	s3 =	stileid.u32;
	[smem:$0x7FF] =	sst s4  }
0x9: {  	s10 =	sadd.s32 $0xC200, s6;
	s11 =	sadd.s32 $0x2200, s6;
	s8 =	smul.u32 $0x140000, s7  }
0xa: {  	s5 =	sadd.s32 $0x16800, s6;
	s9 =	smul.u32 $0x14000, s3;
	_ =	strace $0x8000004A  }
0xb: {  	s24 =	sshll.u32 s3, $0x1;
	s12 =	ssub.s32 $0x2, s7;
	s25 =	smul.u32 $0x50000, s3  }
0xc: {  	s28 =	sshll.u32 s3, $0x6;
	s7 =	sor.u32 s7, s24;
	s13 =	sshrl.u32 s12, $0x1  }
0xd: {  	s24 =	simm.s32 $0x0;
	s8 =	sadd.s32 s9, s8;
	s14 =	smul.u32 $0x2800, s7  }
0xe: {  	s12 =	ssub.s32 s12, s13;
	s26 =	sshrl.u32 s25, $0x2;
	s29 =	smul.u32 $0x500, s7  }
0xf: {  	s8 =	sshrl.u32 s8, $0x3;
	s31 =	sadd.s32 s26, s2;
	s12 =	smax.u32 s12, $0x1  }
0x10: {  	s15 =	sadd.s32 s8, s6;
	s30 =	sshrl.u32 s14, $0x3;
	s6 =	sor.u32 $0x1C03, s28  }
0x11: {  	s7 =	sadd.s32 s10, s29;
	s8 =	sadd.s32 s11, s29;
	s14 =	sadd.s32 $0x280, s30  }
0x12: {  	s13 =	sshrl.u32 s31, $0x3;
	s9 =	sadd.s32 s10, s14;
	s10 =	sadd.s32 s11, s14  }
0x13: {  	s11 =	sadd.s32 $0x19000, s15;
	s14 =	simm.s32 $0x3;
	s15 =	simm.s32 $0x1400  }
.LBB2_1:
0x14: {  	[spmem:s13], [sflag:s6] =	dma.local [hbm:s5], $0x2800  }
0x15: {  	_ =	swait.ge [sflag:s14], $0x2800  }
0x16: {  	[sflag:s14] =	ssyncset.done $0x0  }
0x17: {  	[sflag:s14] =	ssyncadd.s32 $0xFFFFD800  }
0x18: {  	[bflag:$0x0] =	sbarrier.arrive $0xFFFF  }
0x19: {  	[tilespmem:s4], [sflag:$0x3] =	stream.linear.gather [hbm4b:s7+s4], $0x1400, $0x38;
	[tilespmem:$0x1E800] =	vst v63  }
0x1a: {  	_ =	swait.ge [sflag:s14], $0x1400  }
0x1b: {  	[sflag:s14] =	ssyncset.done $0x0  }
0x1c: {  	[sflag:s14] =	ssyncadd.s32 $0xFFFFEC00  }
0x1d: {  	[tilespmem:s15], [sflag:$0x3] =	stream.linear.gather [hbm4b:s8+s4], $0x1400, $0x38;
	[tilespmem:$0x1E800] =	vst v63  }
0x1e: {  	_ =	swait.ge [sflag:s14], $0x1400  }
0x1f: {  	[sflag:s14] =	ssyncset.done $0x0  }
0x20: {  	[sflag:s14] =	ssyncadd.s32 $0xFFFFEC00  }
0x21: {  	[tilespmem:s17], [sflag:$0x1] =	stream.indirect.gather [hbm4b:s1+s16], $0x80, s4, s16, $0xb8;
	[tilespmem:$0x1E800] =	vst v63  }
0x22: {  	_ = 	snop  }
0x23: {  	[tilespmem:s19], [sflag:$0x2] =	stream.indirect.gather [hbm4b:s1+s16], $0x80, s18, s16, $0xb8;
	[tilespmem:$0x1E800] =	vst v63  }
0x24: {  	_ =	swait.ge [sflag:s20], $0x3E80  }
0x25: {  	[sflag:s20] =	ssyncset.done $0x0  }
0x26: {  	s25 =	simm.s32 $0x1400;
	[sflag:s20] =	ssyncadd.s32 $0xFFFFC180  }
0x27: {  	[spmem:s2] =	stream.indirect.scatter.add.f32 [tilespmem:s17], [sflag:$0x3], $0x80, s25, s16, $0xb8;
	[tilespmem:$0x1E800] =	vst v63  }
0x28: {  	_ =	swait.ge [sflag:s14], $0x3E80  }
0x29: {  	[sflag:s14] =	ssyncset.done $0x0  }
0x2a: {  	s30 =	simm.s32 $0x100;
	[sflag:s14] =	ssyncadd.s32 $0xFFFFC180  }
0x2b: {  	[tilespmem:s17], [sflag:$0x1] =	stream.indirect.gather [hbm4b:s1+s16], $0x80, s30, s16, $0xb8;
	[tilespmem:$0x1E800] =	vst v63  }
0x2c: {  	_ =	swait.ge [sflag:s21], $0x3E80  }
0x2d: {  	[sflag:s21] =	ssyncset.done $0x0  }
0x2e: {  	s31 =	simm.s32 $0x1480;
	[sflag:s21] =	ssyncadd.s32 $0xFFFFC180  }
0x2f: {  	[spmem:s2] =	stream.indirect.scatter.add.f32 [tilespmem:s19], [sflag:$0x3], $0x80, s31, s16, $0xb8;
	[tilespmem:$0x1E800] =	vst v63  }
0x30: {  	_ =	swait.ge [sflag:s14], $0x3E80  }
0x31: {  	[sflag:s14] =	ssyncset.done $0x0  }
0x32: {  	s26 =	simm.s32 $0x180;
	s25 =	simm.s32 $0x400;
	[sflag:s14] =	ssyncadd.s32 $0xFFFFC180  }
.LBB2_2:
0x33: {  	[tilespmem:s19], [sflag:$0x2] =	stream.indirect.gather [hbm4b:s1+s16], $0x80, s26, s16, $0xb8;
	[tilespmem:$0x1E800] =	vst v63  }
0x34: {  	s26 =	smov.u32 s25  }
0x35: {  	p0 =	sne.s32 s25, $0x4800;
	s25 =	sadd.s32 $0x400, s25;
	_ =	swait.ge [sflag:s20], $0x3E80  }
0x36: {  	s26 =	sshra.s32 s26, $0x2;
	[sflag:s20] =	ssyncset.done $0x0  }
0x37: {  	s28 =	sadd.s32 $0x1400, s26;
	[sflag:s20] =	ssyncadd.s32 $0xFFFFC180  }
0x38: {  	[spmem:s2] =	stream.indirect.scatter.add.f32 [tilespmem:s17], [sflag:$0x3], $0x80, s28, s16, $0xb8;
	[tilespmem:$0x1E800] =	vst v63  }
0x39: {  	_ =	swait.ge [sflag:s14], $0x3E80  }
0x3a: {  	[sflag:s14] =	ssyncset.done $0x0  }
0x3b: {  	s28 =	sadd.s32 $0x100, s26;
	[sflag:s14] =	ssyncadd.s32 $0xFFFFC180  }
0x3c: {  	[tilespmem:s17], [sflag:$0x1] =	stream.indirect.gather [hbm4b:s1+s16], $0x80, s28, s16, $0xb8;
	[tilespmem:$0x1E800] =	vst v63  }
0x3d: {  	_ =	swait.ge [sflag:s21], $0x3E80  }
0x3e: {  	[sflag:s21] =	ssyncset.done $0x0  }
.Ltmp0:
0x3f: {  	s28 =	sadd.s32 $0x1480, s26;
	[sflag:s21] =	ssyncadd.s32 $0xFFFFC180;
	(pc) =	sbr.rel @p0 .LBB2_2-.Ltmp0, $4  }
0x40: {  	[spmem:s2] =	stream.indirect.scatter.add.f32 [tilespmem:s19], [sflag:$0x3], $0x80, s28, s16, $0xb8;
	[tilespmem:$0x1E800] =	vst v63  }
0x41: {  	_ =	swait.ge [sflag:s14], $0x3E80  }
0x42: {  	[sflag:s14] =	ssyncset.done $0x0  }
0x43: {  	s26 =	sadd.s32 $0x180, s26;
	[sflag:s14] =	ssyncadd.s32 $0xFFFFC180  }
0x44: {  	[tilespmem:s19], [sflag:$0x2] =	stream.indirect.gather [hbm4b:s1+s16], $0x80, s26, s16, $0xb8;
	[tilespmem:$0x1E800] =	vst v63  }
0x45: {  	_ =	swait.ge [sflag:s20], $0x3E80  }
0x46: {  	[sflag:s20] =	ssyncset.done $0x0  }
0x47: {  	[sflag:s20] =	ssyncadd.s32 $0xFFFFC180  }
0x48: {  	[spmem:s2] =	stream.indirect.scatter.add.f32 [tilespmem:s17], [sflag:$0x3], $0x80, s22, s16, $0xb8;
	[tilespmem:$0x1E800] =	vst v63  }
0x49: {  	_ =	swait.ge [sflag:s14], $0x3E80  }
0x4a: {  	[sflag:s14] =	ssyncset.done $0x0  }
0x4b: {  	[sflag:s14] =	ssyncadd.s32 $0xFFFFC180  }
0x4c: {  	_ =	swait.ge [sflag:s21], $0x3E80  }
0x4d: {  	[sflag:s21] =	ssyncset.done $0x0  }
0x4e: {  	[sflag:s21] =	ssyncadd.s32 $0xFFFFC180  }
0x4f: {  	[spmem:s2] =	stream.indirect.scatter.add.f32 [tilespmem:s19], [sflag:$0x3], $0x80, s23, s16, $0xb8;
	[tilespmem:$0x1E800] =	vst v63  }
0x50: {  	_ =	swait.ge [sflag:s14], $0x3E80  }
0x51: {  	[sflag:s14] =	ssyncset.done $0x0  }
0x52: {  	s25 =	simm.s32 $0x0;
	[sflag:s14] =	ssyncadd.s32 $0xFFFFC180  }
0x53: {  	[tilespmem:s25], [sflag:$0x3] =	stream.linear.gather [hbm4b:s9+s25], $0x1400, $0x38;
	[tilespmem:$0x1E800] =	vst v63  }
0x54: {  	_ =	swait.ge [sflag:s14], $0x1400  }
0x55: {  	[sflag:s14] =	ssyncset.done $0x0  }
0x56: {  	[sflag:s14] =	ssyncadd.s32 $0xFFFFEC00  }
0x57: {  	[tilespmem:s15], [sflag:$0x3] =	stream.linear.gather [hbm4b:s10+s25], $0x1400, $0x38;
	[tilespmem:$0x1E800] =	vst v63  }
0x58: {  	_ =	swait.ge [sflag:s14], $0x1400  }
0x59: {  	[sflag:s14] =	ssyncset.done $0x0  }
0x5a: {  	[sflag:s14] =	ssyncadd.s32 $0xFFFFEC00  }
0x5b: {  	[tilespmem:s17], [sflag:$0x1] =	stream.indirect.gather [hbm4b:s1+s16], $0x80, s25, s16, $0xb8;
	[tilespmem:$0x1E800] =	vst v63  }
0x5c: {  	_ = 	snop  }
0x5d: {  	[tilespmem:s19], [sflag:$0x2] =	stream.indirect.gather [hbm4b:s1+s16], $0x80, s18, s16, $0xb8;
	[tilespmem:$0x1E800] =	vst v63  }
0x5e: {  	_ =	swait.ge [sflag:s20], $0x3E80  }
0x5f: {  	[sflag:s20] =	ssyncset.done $0x0  }
0x60: {  	s29 =	simm.s32 $0x1400;
	[sflag:s20] =	ssyncadd.s32 $0xFFFFC180  }
0x61: {  	[spmem:s2] =	stream.indirect.scatter.add.f32 [tilespmem:s17], [sflag:$0x3], $0x80, s29, s16, $0xb8;
	[tilespmem:$0x1E800] =	vst v63  }
0x62: {  	_ =	swait.ge [sflag:s14], $0x3E80  }
0x63: {  	[sflag:s14] =	ssyncset.done $0x0  }
0x64: {  	s30 =	simm.s32 $0x100;
	[sflag:s14] =	ssyncadd.s32 $0xFFFFC180  }
0x65: {  	[tilespmem:s17], [sflag:$0x1] =	stream.indirect.gather [hbm4b:s1+s16], $0x80, s30, s16, $0xb8;
	[tilespmem:$0x1E800] =	vst v63  }
0x66: {  	_ =	swait.ge [sflag:s21], $0x3E80  }
0x67: {  	[sflag:s21] =	ssyncset.done $0x0  }
0x68: {  	s31 =	simm.s32 $0x1480;
	[sflag:s21] =	ssyncadd.s32 $0xFFFFC180  }
0x69: {  	[spmem:s2] =	stream.indirect.scatter.add.f32 [tilespmem:s19], [sflag:$0x3], $0x80, s31, s16, $0xb8;
	[tilespmem:$0x1E800] =	vst v63  }
0x6a: {  	_ =	swait.ge [sflag:s14], $0x3E80  }
0x6b: {  	[sflag:s14] =	ssyncset.done $0x0  }
0x6c: {  	s26 =	simm.s32 $0x180;
	s25 =	simm.s32 $0x400;
	[sflag:s14] =	ssyncadd.s32 $0xFFFFC180  }
.LBB2_4:
0x6d: {  	[tilespmem:s19], [sflag:$0x2] =	stream.indirect.gather [hbm4b:s1+s16], $0x80, s26, s16, $0xb8;
	[tilespmem:$0x1E800] =	vst v63  }
0x6e: {  	s26 =	smov.u32 s25  }
0x6f: {  	p0 =	sne.s32 s25, $0x4800;
	s25 =	sadd.s32 $0x400, s25;
	_ =	swait.ge [sflag:s20], $0x3E80  }
0x70: {  	s26 =	sshra.s32 s26, $0x2;
	[sflag:s20] =	ssyncset.done $0x0  }
0x71: {  	s28 =	sadd.s32 $0x1400, s26;
	[sflag:s20] =	ssyncadd.s32 $0xFFFFC180  }
0x72: {  	[spmem:s2] =	stream.indirect.scatter.add.f32 [tilespmem:s17], [sflag:$0x3], $0x80, s28, s16, $0xb8;
	[tilespmem:$0x1E800] =	vst v63  }
0x73: {  	_ =	swait.ge [sflag:s14], $0x3E80  }
0x74: {  	[sflag:s14] =	ssyncset.done $0x0  }
0x75: {  	s28 =	sadd.s32 $0x100, s26;
	[sflag:s14] =	ssyncadd.s32 $0xFFFFC180  }
0x76: {  	[tilespmem:s17], [sflag:$0x1] =	stream.indirect.gather [hbm4b:s1+s16], $0x80, s28, s16, $0xb8;
	[tilespmem:$0x1E800] =	vst v63  }
0x77: {  	_ =	swait.ge [sflag:s21], $0x3E80  }
0x78: {  	[sflag:s21] =	ssyncset.done $0x0  }
.Ltmp1:
0x79: {  	s28 =	sadd.s32 $0x1480, s26;
	[sflag:s21] =	ssyncadd.s32 $0xFFFFC180;
	(pc) =	sbr.rel @p0 .LBB2_4-.Ltmp1, $4  }
0x7a: {  	[spmem:s2] =	stream.indirect.scatter.add.f32 [tilespmem:s19], [sflag:$0x3], $0x80, s28, s16, $0xb8;
	[tilespmem:$0x1E800] =	vst v63  }
0x7b: {  	_ =	swait.ge [sflag:s14], $0x3E80  }
0x7c: {  	[sflag:s14] =	ssyncset.done $0x0  }
0x7d: {  	s26 =	sadd.s32 $0x180, s26;
	[sflag:s14] =	ssyncadd.s32 $0xFFFFC180  }
0x7e: {  	[tilespmem:s19], [sflag:$0x2] =	stream.indirect.gather [hbm4b:s1+s16], $0x80, s26, s16, $0xb8;
	[tilespmem:$0x1E800] =	vst v63  }
0x7f: {  	_ =	swait.ge [sflag:s20], $0x3E80  }
0x80: {  	[sflag:s20] =	ssyncset.done $0x0  }
0x81: {  	[sflag:s20] =	ssyncadd.s32 $0xFFFFC180  }
0x82: {  	[spmem:s2] =	stream.indirect.scatter.add.f32 [tilespmem:s17], [sflag:$0x3], $0x80, s22, s16, $0xb8;
	[tilespmem:$0x1E800] =	vst v63  }
0x83: {  	_ =	swait.ge [sflag:s14], $0x3E80  }
0x84: {  	[sflag:s14] =	ssyncset.done $0x0  }
0x85: {  	[sflag:s14] =	ssyncadd.s32 $0xFFFFC180  }
0x86: {  	_ =	swait.ge [sflag:s21], $0x3E80  }
0x87: {  	[sflag:s21] =	ssyncset.done $0x0  }
0x88: {  	[sflag:s21] =	ssyncadd.s32 $0xFFFFC180  }
0x89: {  	[spmem:s2] =	stream.indirect.scatter.add.f32 [tilespmem:s19], [sflag:$0x3], $0x80, s23, s16, $0xb8;
	[tilespmem:$0x1E800] =	vst v63  }
0x8a: {  	_ =	swait.ge [sflag:s14], $0x3E80  }
0x8b: {  	s24 =	sadd.s32 $0x1, s24;
	[sflag:s14] =	ssyncset.done $0x0  }
0x8c: {  	p0 =	sne.s32 s24, s12;
	[sflag:s14] =	ssyncadd.s32 $0xFFFFC180  }
.Ltmp2:
0x8d: {  	[bflag:$0x0] =	sbarrier.arrive $0xFFFF;
	(pc) =	sbr.rel @p0 .LBB2_1-.Ltmp2, $4  }
0x8e: {  	[hbm:s11], [sflag:s6] =	dma.local [spmem:s13], $0x2800  }
0x8f: {  	_ =	swait.ge [sflag:s14], $0x2800  }
0x90: {  	[sflag:s14] =	ssyncset.done $0x0  }
0x91: {  	[sflag:s14] =	ssyncadd.s32 $0xFFFFD800  }
0x92: {  	_ =	sfence.sel $0x180000  }
0x93: {  	[bflag:$0x0] =	sbarrier.arrive $0xFFFF  }
0x94: {  	p0 =	sne.s32 s3, $0x0;
	_ =	strace $0x9000004A  }
0x95: {  	s0 =	sadd.s32 @!p0 $0x100000, s0;
	[bflag:$0x2] =	sbarrier.arrive $0xFFFF  }
0x96: {  	[sflag:s0] =	ssyncadd.tile.s32 @!p0 $0x1;
	_ =	shalt  }
.Lfunc_end2:
_tile_overlayer_lowered:
.L_overlay_start_2:
0x97: {  	(tag) =	ssettag $0x2  }
0x98: {  	s0 =	rddreg [dreg:$0x0];
	s2 =	stileid.u32  }
0x99: {  	s1 =	rddreg [dreg:$0x1];
	p0 =	sne.s32 s2, $0x0  }
0x9a: {  	s3 =	rddreg [dreg:$0x2];
	[bflag:$0x3] =	sbarrier.arrive $0xFFFF;
	s2 =	simm.s32 @!p0 $0x1C03  }
0x9b: {  	[timem:s3], [sflag:s2] =	dma.local @!p0 [hbm:s0], s1  }
0x9c: {  	s0 =	simm.s32 @!p0 $0x3  }
0x9d: {  	_ =	swait.ge @!p0 [sflag:s0], s1  }
0x9e: {  	s1 =	ssub.s32 @!p0 $0x0, s1;
	[sflag:s0] =	ssyncset.done @!p0 $0x0  }
0x9f: {  	[sflag:s0] =	ssyncadd.s32 @!p0 s1  }
0xa0: {  	[bflag:$0x3] =	sbarrier.arrive $0xFFFF  }
0xa1: {  	_ =	shalt  }

// kernel: kernel.7.cloned.1.call-start
scs
__scs_entry_jumppad:
0x0: {  	(pc) =	sbr.rel $0x88, $3  }
0x1: {  	(tag) =	ssettag $0x0;
	lr =	simm.s32 $0x1  }
0x2: {  	[smem:$0x3F9A] =	sst lr;
	_ =	strace $0xD0000000  }
0x3: {  	_ = 	snop  }
0x4: {  	_ = 	snop  }
0x5: {  	_ = 	snop  }
0x6: {  	_ = 	snop  }
0x7: {  	_ = 	snop  }
__scs_overlays_trampoline_lowered:
0x8: {  	[smem:$0x3FA9] =	sst s0  }
0x9: {  	[smem:$0x3FAA] =	sst s1  }
0xa: {  	[smem:$0x3FAB] =	sst s2  }
0xb: {  	[smem:$0x3FAC] =	sst s3  }
0xc: {  	[smem:$0x3FAD] =	sst s4  }
0xd: {  	[smem:$0x3FAE] =	sst s5  }
0xe: {  	[smem:$0x3FAF] =	sst s6  }
0xf: {  	[smem:$0x3FB0] =	sst s7  }
0x10: {  	[smem:$0x3FB1] =	sst s8  }
0x11: {  	[smem:$0x3FB2] =	sst s9;
	s0 =	simm.s32 @!p0 $0x0  }
0x12: {  	s1 =	sld [smem:$0x3F98];
	s0 =	simm.s32 @p0 $0x1  }
0x13: {  	[smem:$0x3FB3] =	sst s0;
	s0 =	simm.s32 @!p1 $0x0  }
0x14: {  	s2 =	sld [smem:$0x3F97];
	s0 =	simm.s32 @p1 $0x1  }
0x15: {  	[smem:$0x3FB4] =	sst s0;
	s0 =	simm.s32 @!p2 $0x0  }
0x16: {  	s3 =	sld [smem:$0x3FDB];
	s0 =	simm.s32 @p2 $0x1  }
0x17: {  	s4 =	simm.s32 $0x1BF5;
	[smem:$0x3FB6] =	sst s0  }
0x18: {  	s0 =	sld [smem:$0x3F99];
	_ =	swait.ge [sflag:s4], $0x0  }
0x19: {  	s7 =	sld [smem:$0x3F9A]  }
0x1a: {  	s8 =	sadd.s32 $0xFFFFE003, lr  }
0x1b: {  	s9 =	sadd.s32 $0xFFFFFEF7, lr;
	s5 =	simm.s32 $0xFFFFFFFF;
	p2 =	slt.u32 s8, $0xFFFFF086  }
0x1c: {  	p1 =	slt.u32 s9, $0xF7A;
	s5 =	simm.s32 @!p2 $0x0  }
0x1d: {  	s5 =	simm.s32 @p1 $0x1;
	p0 =	seq.s32 s7, s2  }
0x1e: {  	s7 =	smul.u32 @!p0 $0xF7A, s2;
	p2 =	seq.s32 @!p0 s5, $0x0  }
0x1f: {  	s9 =	smul.u32 $0xF7A, s1;
	s8 =	simm.s32 @!p0 $0x1BF5;
	p2 =	por !p2, p0  }
0x20: {  	[sflag:s8] =	ssyncset.s32 @!p0 $0xFFFFF086;
	s6 =	sadd.s32 @!p0 s3, s7;
	s7 =	simm.s32 @!p0 $0x108  }
0x21: {  	s3 =	sadd.s32 s3, s9;
	s6 =	sadd.s32 @!p0 $0x88, s6;
	s7 =	simm.s32 @p2 $0x1082  }
0x22: {  	[simem:s7], [sflag:s8] =	dma.local @!p0 [hbm:s6], $0xF7A  }
0x23: {  	s9 =	sor.u32 $0xD0000000, s2;
	s6 =	simm.s32 $0x108;
	_ =	swait.ge @!p0 [sflag:s8], $0x0  }
0x24: {  	s3 =	sadd.s32 $0x88, s3;
	s6 =	simm.s32 @!p1 $0x1082;
	[sflag:s4] =	ssyncset.s32 $0xFFFFF086  }
0x25: {  	[simem:s6], [sflag:s4] =	dma.local [hbm:s3], $0xF7A  }
0x26: {  	[smem:$0x3F9A] =	sst s1;
	(tag) =	ssettag s2;
	_ =	strace s9  }
0x27: {  	s1 =	sld [smem:$0x3FAA]  }
0x28: {  	s2 =	sld [smem:$0x3FAB]  }
0x29: {  	s4 =	sld [smem:$0x3FAD]  }
0x2a: {  	p0 =	seq.s32 s5, $0x0;
	s5 =	sld [smem:$0x3FAE]  }
0x2b: {  	s6 =	sld [smem:$0x3FAF]  }
0x2c: {  	s7 =	sld [smem:$0x3FB0]  }
0x2d: {  	s3 =	simm.s32 $0x108;
	s8 =	sld [smem:$0x3FB1]  }
0x2e: {  	s3 =	simm.s32 @!p0 $0x1082;
	s9 =	sld [smem:$0x3FB2]  }
0x2f: {  	lr =	sadd.s32 s0, s3;
	s0 =	sld [smem:$0x3FA9]  }
0x30: {  	s3 =	sld [smem:$0x3FAC]  }
0x31: {  	[smem:$0x3FB5] =	sst s10  }
0x32: {  	s10 =	sld [smem:$0x3FB3];
	_ =	sdelay $0x3  }
0x33: {  	p0 =	seq.s32 s10, $0x1;
	s10 =	sld [smem:$0x3FB5];
	_ =	sdelay $0x3  }
0x34: {  	[smem:$0x3FB5] =	sst s10  }
0x35: {  	s10 =	sld [smem:$0x3FB4];
	_ =	sdelay $0x3  }
0x36: {  	p1 =	seq.s32 s10, $0x1;
	s10 =	sld [smem:$0x3FB5];
	_ =	sdelay $0x3  }
0x37: {  	[smem:$0x3FB5] =	sst s10  }
0x38: {  	s10 =	sld [smem:$0x3FB6]  }
0x39: {  	_ = 	snop;
	(pc) =	sbr.ind lr, $3  }
0x3a: {  	_ = 	snop  }
0x3b: {  	_ = 	snop  }
0x3c: {  	p2 =	seq.s32 s10, $0x1;
	s10 =	sld [smem:$0x3FB5]  }
0x3d: {  	_ =	shalt  }
0x3e: {  	_ =	shalt  }
0x3f: {  	_ =	shalt  }
0x40: {  	_ =	shalt  }
0x41: {  	_ =	shalt  }
0x42: {  	_ =	shalt  }
0x43: {  	_ =	shalt  }
0x44: {  	_ =	shalt  }
0x45: {  	_ =	shalt  }
0x46: {  	_ =	shalt  }
0x47: {  	_ =	shalt  }
0x48: {  	_ =	shalt  }
0x49: {  	_ =	shalt  }
0x4a: {  	_ =	shalt  }
0x4b: {  	_ =	shalt  }
0x4c: {  	_ =	shalt  }
0x4d: {  	_ =	shalt  }
0x4e: {  	_ =	shalt  }
0x4f: {  	_ =	shalt  }
0x50: {  	_ =	shalt  }
0x51: {  	_ =	shalt  }
0x52: {  	_ =	shalt  }
0x53: {  	_ =	shalt  }
0x54: {  	_ =	shalt  }
0x55: {  	_ =	shalt  }
0x56: {  	_ =	shalt  }
0x57: {  	_ =	shalt  }
0x58: {  	_ =	shalt  }
0x59: {  	_ =	shalt  }
0x5a: {  	_ =	shalt  }
0x5b: {  	_ =	shalt  }
0x5c: {  	_ =	shalt  }
0x5d: {  	_ =	shalt  }
0x5e: {  	_ =	shalt  }
0x5f: {  	_ =	shalt  }
0x60: {  	_ =	shalt  }
0x61: {  	_ =	shalt  }
0x62: {  	_ =	shalt  }
0x63: {  	_ =	shalt  }
0x64: {  	_ =	shalt  }
0x65: {  	_ =	shalt  }
0x66: {  	_ =	shalt  }
0x67: {  	_ =	shalt  }
0x68: {  	_ =	shalt  }
0x69: {  	_ =	shalt  }
0x6a: {  	_ =	shalt  }
0x6b: {  	_ =	shalt  }
0x6c: {  	_ =	shalt  }
0x6d: {  	_ =	shalt  }
0x6e: {  	_ =	shalt  }
0x6f: {  	_ =	shalt  }
0x70: {  	_ =	shalt  }
0x71: {  	_ =	shalt  }
0x72: {  	_ =	shalt  }
0x73: {  	_ =	shalt  }
0x74: {  	_ =	shalt  }
0x75: {  	_ =	shalt  }
0x76: {  	_ =	shalt  }
0x77: {  	_ =	shalt  }
0x78: {  	_ =	shalt  }
0x79: {  	_ =	shalt  }
0x7a: {  	_ =	shalt  }
0x7b: {  	_ =	shalt  }
0x7c: {  	_ =	shalt  }
0x7d: {  	_ =	shalt  }
0x7e: {  	_ =	shalt  }
0x7f: {  	_ =	shalt  }
0x80: {  	_ =	shalt  }
0x81: {  	_ =	shalt  }
0x82: {  	_ =	shalt  }
0x83: {  	_ =	shalt  }
0x84: {  	_ =	shalt  }
0x85: {  	_ =	shalt  }
0x86: {  	_ =	shalt  }
0x87: {  	_ =	shalt  }
.Lfunc_end0:
.L_simem_size_0:
called_computation_lowered:
.L_overlay_start_0:
0x88: {  	s2 =	sld [smem:$0x3FD9]  }
0x89: {  	s3 =	sld [smem:$0x3FFE];
	_ =	sdelay $0x1  }
0x8a: {  	s1 =	srdreg.scid  }
0x8b: {  	s0 =	sand.u32 $0x1, s1  }
0x8c: {  	s17 =	sshll.u32 s0, $0xA;
	s2 =	sadd.s32 s3, s2  }
0x8d: {  	s2 =	sadd.s32 s2, s17  }
0x8e: {  	[smem:$0x3FC1] =	sst s2  }
0x8f: {  	_ = 	snop  }
0x90: {  	s2 =	sld [smem:$0x3FC7]  }
0x91: {  	s18 =	sld [smem:$0x3FC6]  }
0x92: {  	s4 =	sld [smem:$0x3FD0];
	(tm) =	ssettm $0x1  }
0x93: {  	s5 =	sld [smem:$0x3FFB];
	_ =	sdelay $0x3  }
0x94: {  	_ =	strace s5  }
0x95: {  	s5 =	sld [smem:$0x3FFC];
	_ =	sdelay $0x3  }
0x96: {  	_ =	strace s5  }
0x97: {  	s5 =	sld [smem:$0x3FFD];
	_ =	sdelay $0x3  }
0x98: {  	_ =	strace s5  }
0x99: {  	_ =	strace $0x8FFFFFFF  }
0x9a: {  	s19 =	sld [smem:$0x3FDB];
	_ =	sdelay $0x1  }
0x9b: {  	s6 =	simm.s32 $_scs_section_size  }
0x9c: {  	s7 =	simm.s32 $_size__tile_overlayer_lowered;
	s8 =	simm.s32 $_tile_overlayer_lowered  }
0x9d: {  	s22 =	simm.s32 $0x1BFF;
	s21 =	sshll.u32 s8, $0x1;
	s5 =	sadd.s32 s6, s19  }
0x9e: {  	s9 =	simm.s32 $0x0;
	s20 =	sshll.u32 s7, $0x1;
	s7 =	sadd.s32 s21, s5  }
0x9f: {  	[timem:s9], [sflag:s22] =	dma.local [hbm:s7], s20  }
0xa0: {  	_ =	swait.ge [sflag:s22], s20  }
0xa1: {  	s6 =	ssub.s32 $0x0, s20;
	[sflag:s22] =	ssyncset.done $0x0  }
0xa2: {  	[sflag:s22] =	ssyncadd.s32 s6;
	_ =	sdelay $0x1  }
0xa3: {  	s23 =	simm.s32 $0x1B8B  }
0xa4: {  	_ =	swait.ge [sflag:s23], $0x1  }
0xa5: {  	[sflag:s23] =	ssyncset.done $0x0  }
0xa6: {  	s25 =	simm.s32 $0x1B8E;
	s24 =	sld [smem:$0x3FFE];
	[sflag:s23] =	ssyncadd.s32 $0xFFFFFFFF  }
0xa7: {  	s26 =	simm.s32 $execute0_lowered;
	[smem:$0x3FD2] =	sst s25  }
0xa8: {  	s7 =	sshll.u32 s26, $0x1;
	_ =	strace $0x80000046;
	[dreg:$0x1] =	wrdreg $0xFFFFFFFF  }
0xa9: {  	s28 =	simm.s32 $_size_execute0_lowered;
	s5 =	sadd.s32 s5, s7;
	[dreg:$0x0] =	wrdreg $0x0  }
0xaa: {  	s7 =	sshll.u32 s28, $0x1;
	[dreg:$0x2] =	wrdreg s5  }
0xab: {  	[dreg:$0x3] =	wrdreg s7  }
0xac: {  	[dreg:$0x4] =	wrdreg $0xC0  }
0xad: {  	_ =	task [dreg:s9], $0x5FFFF  }
0xae: {  	[dreg:$0x1] =	wrdreg $0xFFFFFFFF  }
0xaf: {  	[dreg:$0x0] =	wrdreg $0x60  }
0xb0: {  	[dreg:$0x2] =	wrdreg s4  }
0xb1: {  	[dreg:$0x3] =	wrdreg s24  }
0xb2: {  	[dreg:$0x4] =	wrdreg s2  }
0xb3: {  	[dreg:$0x5] =	wrdreg s18  }
0xb4: {  	[dreg:$0x6] =	wrdreg $0x14E800  }
0xb5: {  	[dreg:$0x7] =	wrdreg $0x9  }
0xb6: {  	_ =	task.clear_ibuf [dreg:s9], $0x8FFFF;
	_ =	strace $0x90000046  }
0xb7: {  	s29 =	simm.s32 $0x9;
	_ =	strace $0x80000048  }
0xb8: {  	_ =	swait.ge [sflag:s29], $0x1  }
0xb9: {  	[sflag:s29] =	ssyncadd.s32 $0xFFFFFFFF  }
0xba: {  	_ =	strace $0x90000048  }
0xbb: {  	_ =	sfence  }
0xbc: {  	s30 =	sld [smem:$0x0];
	_ =	sdelay $0x2  }
0xbd: {  	s31 =	sshll.u32 s1, $0xD;
	s1 =	sshrl.u32 s1, $0x2  }
0xbe: {  	s3 =	sand.u32 $0x4000, s31;
	s1 =	sadd.s32 s1, s30  }
0xbf: {  	s0 =	sor.u32 s3, s0;
	s1 =	sshll.u32 s1, $0x11  }
0xc0: {  	s0 =	sor.u32 s1, s0  }
0xc1: {  	s0 =	sadd.s32 $0x8F2B, s0  }
0xc2: {  	[sflag:s0] =	ssyncadd.remote.s32 $0x1  }
0xc3: {  	_ =	sfence.sel $0xFFFF  }
0xc4: {  	[dreg:$0x0] =	wrdreg $0xFFFFFFFF;
	(pc) =	sbr.abs _section_cstart, $3  }
0xc5: {  	[dreg:$0x1] =	wrdreg $0xFFFFFFFF  }
0xc6: {  	_ =	task.clear_ibuf [dreg:s9], $0x2FFFF;
	_ =	strace $0x9FFFFFFF  }
0xc7: {  	(tm) =	ssettm $0x7FFFFFFF  }
tec
execute0_lowered:
.L_overlay_start_1:
0x0: {  	(tag) =	ssettag $0x1  }
0x1: {  	s1 =	rddreg [dreg:$0x0]  }
0x2: {  	s0 =	rddreg [dreg:$0x1]  }
0x3: {  	s2 =	rddreg [dreg:$0x2];
	s3 =	srdreg.scid  }
0x4: {  	s17 =	stileid.u32;
	s10 =	rddreg [dreg:$0x3]  }
0x5: {  	s20 =	simm.s32 $0x11F00;
	s21 =	simm.s32 $0x14680;
	s28 =	simm.s32 $0x1  }
0x6: {  	s29 =	simm.s32 $0x2;
	s31 =	simm.s32 $0x4F80;
	s11 =	sand.u32 $0x1, s3  }
0x7: {  	s4 =	sshll.u32 s17, $0x1;
	s3 =	rddreg [dreg:$0x4];
	s9 =	sshrl.u32 s17, $0x2  }
0x8: {  	s6 =	sadd.s32 $0x16200, s0;
	s14 =	sshll.u32 s17, $0xB;
	s24 =	sshll.u32 s17, $0xE  }
0x9: {  	s30 =	sshll.u32 s17, $0x6;
	s7 =	sor.u32 s11, s4;
	s4 =	simm.s32 $0x0  }
0xa: {  	s12 =	smul.u32 $0x13C00, s9;
	s14 =	sadd.s32 s14, s0;
	s9 =	sshll.u32 s9, $0xE  }
0xb: {  	s23 =	ssub.s32 $0x2, s11;
	s25 =	sshll.u32 s11, $0xF;
	s11 =	sadd.s32 s24, s3  }
0xc: {  	s22 =	sor.u32 $0x1C03, s30;
	s24 =	simm.s32 $0x5000;
	s5 =	smul.u32 $0x500, s7  }
0xd: {  	[smem:$0x7FF] =	sst s4;
	s13 =	sshll.u32 s7, $0x7;
	s15 =	sshrl.u32 s23, $0x1  }
0xe: {  	s16 =	smul.u32 $0x4E2, s7;
	s26 =	sadd.s32 s25, s14;
	s25 =	simm.s32 $0x80  }
0xf: {  	_ =	strace $0x80000047;
	s13 =	sand.u32 $0x380, s13;
	s15 =	ssub.s32 s23, s15  }
0x10: {  	s14 =	sadd.s32 $0x19000, s26;
	s23 =	simm.s32 $0x7D;
	s26 =	simm.s32 $0x9000  }
0x11: {  	s8 =	sadd.s32 s5, s0;
	s5 =	sadd.s32 $0x16800, s0;
	s12 =	sor.u32 s12, s13  }
0x12: {  	s9 =	sor.u32 s9, s13;
	s10 =	sadd.s32 s10, s16;
	s15 =	smax.u32 s15, $0x1  }
0x13: {  	s12 =	sshrl.u32 s12, $0x3;
	s9 =	sshrl.u32 s9, $0x3;
	s7 =	sadd.s32 $0x2200, s8  }
0x14: {  	s8 =	sadd.s32 $0xC200, s8;
	s12 =	sadd.s32 s12, s0;
	s0 =	sadd.s32 s9, s0  }
0x15: {  	s9 =	sadd.s32 s2, s16;
	s16 =	simm.s32 $0x3;
	s2 =	simm.s32 $0x400  }
0x16: {  	s12 =	sadd.s32 $0x29000, s12;
	s13 =	sadd.s32 $0x32E00, s0;
	s0 =	simm.s32 $0x0  }
.LBB2_1:
0x17: {  	[tilespmem:s4], [sflag:$0x3] =	stream.linear.gather [hbm4b:s7+s4], $0x2800, $0x38;
	[tilespmem:$0x18E80] =	vst v63  }
0x18: {  	_ =	swait.ge [sflag:s16], $0x2800  }
0x19: {  	[sflag:s16] =	ssyncset.done $0x0  }
0x1a: {  	s17 =	simm.s32 $0x2800;
	[sflag:s16] =	ssyncadd.s32 $0xFFFFD800  }
0x1b: {  	[tilespmem:s17], [sflag:$0x3] =	stream.linear.gather [hbm4b:s8+s4], $0x2800, $0x38;
	[tilespmem:$0x18E80] =	vst v63  }
0x1c: {  	_ =	swait.ge [sflag:s16], $0x2800  }
0x1d: {  	[sflag:s16] =	ssyncset.done $0x0  }
0x1e: {  	s19 =	simm.s32 $0xD000;
	[sflag:s16] =	ssyncadd.s32 $0xFFFFD800  }
0x1f: {  	[tilespmem:s19], [sflag:$0x3] =	stream.linear.gather [hbm4b:s9+s4], $0x2710, $0x38;
	[tilespmem:$0x18E80] =	vst v63  }
0x20: {  	_ =	swait.ge [sflag:s16], $0x2710  }
0x21: {  	[sflag:s16] =	ssyncset.done $0x0  }
0x22: {  	s30 =	simm.s32 $0xF780;
	[sflag:s16] =	ssyncadd.s32 $0xFFFFD8F0  }
0x23: {  	[tilespmem:s30], [sflag:$0x3] =	stream.linear.gather [hbm4b:s10+s4], $0x2710, $0x38;
	[tilespmem:$0x18E80] =	vst v63  }
0x24: {  	_ =	swait.ge [sflag:s16], $0x2710  }
0x25: {  	[sflag:s16] =	ssyncset.done $0x0  }
0x26: {  	[sflag:s16] =	ssyncadd.s32 $0xFFFFD8F0  }
0x27: {  	[tilespmem:s20], [sflag:$0x3] =	stream.linear.gather [hbm4b:s6+s4], $0x2780, $0x38;
	[tilespmem:$0x18E80] =	vst v63  }
0x28: {  	_ =	swait.ge [sflag:s16], $0x2780  }
0x29: {  	[sflag:s16] =	ssyncset.done $0x0  }
0x2a: {  	[sflag:s16] =	ssyncadd.s32 $0xFFFFD880  }
0x2b: {  	[tilespmem:s21], [sflag:$0x3] =	stream.linear.gather [hbm4b:s6+s4], $0x800, $0x38;
	[tilespmem:$0x18E80] =	vst v63  }
0x2c: {  	_ =	swait.ge [sflag:s16], $0x800  }
0x2d: {  	[sflag:s16] =	ssyncset.done $0x0  }
0x2e: {  	s17 =	sshrl.u32 s11, $0x3;
	[sflag:s16] =	ssyncadd.s32 $0xFFFFF800  }
0x2f: {  	[spmem:s17], [sflag:s22] =	dma.local [hbm:s5], $0x800  }
0x30: {  	_ =	swait.ge [sflag:s16], $0x800  }
0x31: {  	[sflag:s16] =	ssyncset.done $0x0  }
0x32: {  	[sflag:s16] =	ssyncadd.s32 $0xFFFFF800  }
0x33: {  	[bflag:$0x0] =	sbarrier.arrive $0xFFFF  }
0x34: {  	[tilespmem:s24], [sflag:$0x1] =	stream.indirect.gather [hbm4b:s1+s23], $0x80, s4, s23, $0xb8;
	[tilespmem:$0x18E80] =	vst v63  }
0x35: {  	s18 =	simm.s32 $0x0  }
0x36: {  	[tilespmem:s26], [sflag:$0x2] =	stream.indirect.gather [hbm4b:s1+s23], $0x80, s25, s23, $0xb8;
	[tilespmem:$0x18E80] =	vst v63  }
.LBB2_2:
0x37: {  	s19 =	sshra.s32 s18, $0x2  }
0x38: {  	v0 =	vld [tilespmem:s19+$0xD000];
	_ =	sdelay $0x4  }
0x39: {  	(xrf1) =	vunique.msk.u32 $0xffff, v0;
	_ =	sdelay $0xd  }
0x3a: {  	_, v1, vm0 =	vpop (xrf1);
	_ =	sdelay $0x3  }
0x3b: {  	v1 =	vcvt.s32.f32 v1;
	_ =	sdelay $0x1  }
0x3c: {  	[tilespmem:v0+s20+$0x0] =	vst.idx.add.f32.msk vm0, v1  }
0x3d: {  	v0 =	vld [tilespmem:s19+$0xF780];
	_ =	sdelay $0x4  }
0x3e: {  	(xrf1) =	vunique.msk.u32 $0xffff, v0;
	_ =	sdelay $0xd  }
0x3f: {  	_, v1, vm0 =	vpop (xrf1);
	_ =	sdelay $0x3  }
0x40: {  	v1 =	vcvt.s32.f32 v1;
	_ =	sdelay $0x1  }
0x41: {  	[tilespmem:v0+s21+$0x0] =	vst.idx.add.f32.msk vm0, v1  }
0x42: {  	v0 =	vld [tilespmem:s19+$0xD010];
	_ =	sdelay $0x4  }
0x43: {  	(xrf1) =	vunique.msk.u32 $0xffff, v0;
	_ =	sdelay $0xd  }
0x44: {  	_, v1, vm0 =	vpop (xrf1);
	_ =	sdelay $0x3  }
0x45: {  	v1 =	vcvt.s32.f32 v1;
	_ =	sdelay $0x1  }
0x46: {  	[tilespmem:v0+s20+$0x0] =	vst.idx.add.f32.msk vm0, v1  }
0x47: {  	v0 =	vld [tilespmem:s19+$0xF790];
	_ =	sdelay $0x4  }
0x48: {  	(xrf1) =	vunique.msk.u32 $0xffff, v0;
	_ =	sdelay $0xd  }
0x49: {  	_, v1, vm0 =	vpop (xrf1);
	_ =	sdelay $0x3  }
0x4a: {  	v1 =	vcvt.s32.f32 v1;
	_ =	sdelay $0x1  }
0x4b: {  	[tilespmem:v0+s21+$0x0] =	vst.idx.add.f32.msk vm0, v1  }
0x4c: {  	v0 =	vld [tilespmem:s19+$0xD020];
	_ =	sdelay $0x4  }
0x4d: {  	(xrf1) =	vunique.msk.u32 $0xffff, v0;
	_ =	sdelay $0xd  }
0x4e: {  	_, v1, vm0 =	vpop (xrf1);
	_ =	sdelay $0x3  }
0x4f: {  	v1 =	vcvt.s32.f32 v1;
	_ =	sdelay $0x1  }
0x50: {  	[tilespmem:v0+s20+$0x0] =	vst.idx.add.f32.msk vm0, v1  }
0x51: {  	v0 =	vld [tilespmem:s19+$0xF7A0];
	_ =	sdelay $0x4  }
0x52: {  	(xrf1) =	vunique.msk.u32 $0xffff, v0;
	_ =	sdelay $0xd  }
0x53: {  	_, v1, vm0 =	vpop (xrf1);
	_ =	sdelay $0x3  }
0x54: {  	v1 =	vcvt.s32.f32 v1;
	_ =	sdelay $0x1  }
0x55: {  	[tilespmem:v0+s21+$0x0] =	vst.idx.add.f32.msk vm0, v1  }
0x56: {  	v0 =	vld [tilespmem:s19+$0xD030];
	_ =	sdelay $0x4  }
0x57: {  	(xrf1) =	vunique.msk.u32 $0xffff, v0;
	_ =	sdelay $0xd  }
0x58: {  	_, v1, vm0 =	vpop (xrf1);
	_ =	sdelay $0x3  }
0x59: {  	v1 =	vcvt.s32.f32 v1;
	_ =	sdelay $0x1  }
0x5a: {  	[tilespmem:v0+s20+$0x0] =	vst.idx.add.f32.msk vm0, v1  }
0x5b: {  	v0 =	vld [tilespmem:s19+$0xF7B0];
	_ =	sdelay $0x4  }
0x5c: {  	(xrf1) =	vunique.msk.u32 $0xffff, v0;
	_ =	sdelay $0xd  }
0x5d: {  	_, v1, vm0 =	vpop (xrf1);
	_ =	sdelay $0x3  }
0x5e: {  	v1 =	vcvt.s32.f32 v1;
	_ =	sdelay $0x1  }
0x5f: {  	[tilespmem:v0+s21+$0x0] =	vst.idx.add.f32.msk vm0, v1  }
0x60: {  	v0 =	vld [tilespmem:s19+$0xD040];
	_ =	sdelay $0x4  }
0x61: {  	(xrf1) =	vunique.msk.u32 $0xffff, v0;
	_ =	sdelay $0xd  }
0x62: {  	_, v1, vm0 =	vpop (xrf1);
	_ =	sdelay $0x3  }
0x63: {  	v1 =	vcvt.s32.f32 v1;
	_ =	sdelay $0x1  }
0x64: {  	[tilespmem:v0+s20+$0x0] =	vst.idx.add.f32.msk vm0, v1  }
0x65: {  	v0 =	vld [tilespmem:s19+$0xF7C0];
	_ =	sdelay $0x4  }
0x66: {  	(xrf1) =	vunique.msk.u32 $0xffff, v0;
	_ =	sdelay $0xd  }
0x67: {  	_, v1, vm0 =	vpop (xrf1);
	_ =	sdelay $0x3  }
0x68: {  	v1 =	vcvt.s32.f32 v1;
	_ =	sdelay $0x1  }
0x69: {  	[tilespmem:v0+s21+$0x0] =	vst.idx.add.f32.msk vm0, v1  }
0x6a: {  	v0 =	vld [tilespmem:s19+$0xD050];
	_ =	sdelay $0x4  }
0x6b: {  	(xrf1) =	vunique.msk.u32 $0xffff, v0;
	_ =	sdelay $0xd  }
0x6c: {  	_, v1, vm0 =	vpop (xrf1);
	_ =	sdelay $0x3  }
0x6d: {  	v1 =	vcvt.s32.f32 v1;
	_ =	sdelay $0x1  }
0x6e: {  	[tilespmem:v0+s20+$0x0] =	vst.idx.add.f32.msk vm0, v1  }
0x6f: {  	v0 =	vld [tilespmem:s19+$0xF7D0];
	_ =	sdelay $0x4  }
0x70: {  	(xrf1) =	vunique.msk.u32 $0xffff, v0;
	_ =	sdelay $0xd  }
0x71: {  	_, v1, vm0 =	vpop (xrf1);
	_ =	sdelay $0x3  }
0x72: {  	v1 =	vcvt.s32.f32 v1;
	_ =	sdelay $0x1  }
0x73: {  	[tilespmem:v0+s21+$0x0] =	vst.idx.add.f32.msk vm0, v1  }
0x74: {  	v0 =	vld [tilespmem:s19+$0xD060];
	_ =	sdelay $0x4  }
0x75: {  	(xrf1) =	vunique.msk.u32 $0xffff, v0;
	_ =	sdelay $0xd  }
0x76: {  	_, v1, vm0 =	vpop (xrf1);
	_ =	sdelay $0x3  }
0x77: {  	v1 =	vcvt.s32.f32 v1;
	_ =	sdelay $0x1  }
0x78: {  	[tilespmem:v0+s20+$0x0] =	vst.idx.add.f32.msk vm0, v1  }
0x79: {  	v0 =	vld [tilespmem:s19+$0xF7E0];
	_ =	sdelay $0x4  }
0x7a: {  	(xrf1) =	vunique.msk.u32 $0xffff, v0;
	_ =	sdelay $0xd  }
0x7b: {  	_, v1, vm0 =	vpop (xrf1);
	_ =	sdelay $0x3  }
0x7c: {  	v1 =	vcvt.s32.f32 v1;
	_ =	sdelay $0x1  }
0x7d: {  	[tilespmem:v0+s21+$0x0] =	vst.idx.add.f32.msk vm0, v1  }
0x7e: {  	v0 =	vld [tilespmem:s19+$0xD070];
	_ =	sdelay $0x4  }
0x7f: {  	(xrf1) =	vunique.msk.u32 $0xffff, v0;
	_ =	sdelay $0xd  }
0x80: {  	_, v1, vm0 =	vpop (xrf1);
	_ =	sdelay $0x3  }
0x81: {  	v1 =	vcvt.s32.f32 v1;
	_ =	sdelay $0x1  }
0x82: {  	[tilespmem:v0+s20+$0x0] =	vst.idx.add.f32.msk vm0, v1  }
0x83: {  	v0 =	vld [tilespmem:s19+$0xF7F0];
	_ =	sdelay $0x4  }
0x84: {  	(xrf1) =	vunique.msk.u32 $0xffff, v0;
	_ =	sdelay $0xd  }
0x85: {  	_, v1, vm0 =	vpop (xrf1);
	_ =	sdelay $0x3  }
0x86: {  	v1 =	vcvt.s32.f32 v1;
	_ =	sdelay $0x1  }
0x87: {  	[tilespmem:v0+s21+$0x0] =	vst.idx.add.f32.msk vm0, v1  }
0x88: {  	v0 =	vld [tilespmem:s19+$0xD080];
	_ =	sdelay $0x4  }
0x89: {  	(xrf1) =	vunique.msk.u32 $0xffff, v0;
	_ =	sdelay $0xd  }
0x8a: {  	_, v1, vm0 =	vpop (xrf1);
	_ =	sdelay $0x3  }
0x8b: {  	v1 =	vcvt.s32.f32 v1;
	_ =	sdelay $0x1  }
0x8c: {  	[tilespmem:v0+s20+$0x0] =	vst.idx.add.f32.msk vm0, v1  }
0x8d: {  	v0 =	vld [tilespmem:s19+$0xF800];
	_ =	sdelay $0x4  }
0x8e: {  	(xrf1) =	vunique.msk.u32 $0xffff, v0;
	_ =	sdelay $0xd  }
0x8f: {  	_, v1, vm0 =	vpop (xrf1);
	_ =	sdelay $0x3  }
0x90: {  	v1 =	vcvt.s32.f32 v1;
	_ =	sdelay $0x1  }
0x91: {  	[tilespmem:v0+s21+$0x0] =	vst.idx.add.f32.msk vm0, v1  }
0x92: {  	v0 =	vld [tilespmem:s19+$0xD090];
	_ =	sdelay $0x4  }
0x93: {  	(xrf1) =	vunique.msk.u32 $0xffff, v0;
	_ =	sdelay $0xd  }
0x94: {  	_, v1, vm0 =	vpop (xrf1);
	_ =	sdelay $0x3  }
0x95: {  	v1 =	vcvt.s32.f32 v1;
	_ =	sdelay $0x1  }
0x96: {  	[tilespmem:v0+s20+$0x0] =	vst.idx.add.f32.msk vm0, v1  }
0x97: {  	v0 =	vld [tilespmem:s19+$0xF810];
	_ =	sdelay $0x4  }
0x98: {  	(xrf1) =	vunique.msk.u32 $0xffff, v0;
	_ =	sdelay $0xd  }
0x99: {  	_, v1, vm0 =	vpop (xrf1);
	_ =	sdelay $0x3  }
0x9a: {  	v1 =	vcvt.s32.f32 v1;
	_ =	sdelay $0x1  }
0x9b: {  	[tilespmem:v0+s21+$0x0] =	vst.idx.add.f32.msk vm0, v1  }
0x9c: {  	v0 =	vld [tilespmem:s19+$0xD0A0];
	_ =	sdelay $0x4  }
0x9d: {  	(xrf1) =	vunique.msk.u32 $0xffff, v0;
	_ =	sdelay $0xd  }
0x9e: {  	_, v1, vm0 =	vpop (xrf1);
	_ =	sdelay $0x3  }
0x9f: {  	v1 =	vcvt.s32.f32 v1;
	_ =	sdelay $0x1  }
0xa0: {  	[tilespmem:v0+s20+$0x0] =	vst.idx.add.f32.msk vm0, v1  }
0xa1: {  	v0 =	vld [tilespmem:s19+$0xF820];
	_ =	sdelay $0x4  }
0xa2: {  	(xrf1) =	vunique.msk.u32 $0xffff, v0;
	_ =	sdelay $0xd  }
0xa3: {  	_, v1, vm0 =	vpop (xrf1);
	_ =	sdelay $0x3  }
0xa4: {  	v1 =	vcvt.s32.f32 v1;
	_ =	sdelay $0x1  }
0xa5: {  	[tilespmem:v0+s21+$0x0] =	vst.idx.add.f32.msk vm0, v1  }
0xa6: {  	v0 =	vld [tilespmem:s19+$0xD0B0];
	_ =	sdelay $0x4  }
0xa7: {  	(xrf1) =	vunique.msk.u32 $0xffff, v0;
	_ =	sdelay $0xd  }
0xa8: {  	_, v1, vm0 =	vpop (xrf1);
	_ =	sdelay $0x3  }
0xa9: {  	v1 =	vcvt.s32.f32 v1;
	_ =	sdelay $0x1  }
0xaa: {  	[tilespmem:v0+s20+$0x0] =	vst.idx.add.f32.msk vm0, v1  }
0xab: {  	v0 =	vld [tilespmem:s19+$0xF830];
	_ =	sdelay $0x4  }
0xac: {  	(xrf1) =	vunique.msk.u32 $0xffff, v0;
	_ =	sdelay $0xd  }
0xad: {  	_, v1, vm0 =	vpop (xrf1);
	_ =	sdelay $0x3  }
0xae: {  	v1 =	vcvt.s32.f32 v1;
	_ =	sdelay $0x1  }
0xaf: {  	[tilespmem:v0+s21+$0x0] =	vst.idx.add.f32.msk vm0, v1  }
0xb0: {  	v0 =	vld [tilespmem:s19+$0xD0C0];
	_ =	sdelay $0x4  }
0xb1: {  	(xrf1) =	vunique.msk.u32 $0xffff, v0;
	_ =	sdelay $0xd  }
0xb2: {  	_, v1, vm0 =	vpop (xrf1);
	_ =	sdelay $0x3  }
0xb3: {  	v1 =	vcvt.s32.f32 v1;
	_ =	sdelay $0x1  }
0xb4: {  	[tilespmem:v0+s20+$0x0] =	vst.idx.add.f32.msk vm0, v1  }
0xb5: {  	v0 =	vld [tilespmem:s19+$0xF840];
	_ =	sdelay $0x4  }
0xb6: {  	(xrf1) =	vunique.msk.u32 $0xffff, v0;
	_ =	sdelay $0xd  }
0xb7: {  	_, v1, vm0 =	vpop (xrf1);
	_ =	sdelay $0x3  }
0xb8: {  	v1 =	vcvt.s32.f32 v1;
	_ =	sdelay $0x1  }
0xb9: {  	[tilespmem:v0+s21+$0x0] =	vst.idx.add.f32.msk vm0, v1  }
0xba: {  	v0 =	vld [tilespmem:s19+$0xD0D0];
	_ =	sdelay $0x4  }
0xbb: {  	(xrf1) =	vunique.msk.u32 $0xffff, v0;
	_ =	sdelay $0xd  }
0xbc: {  	_, v1, vm0 =	vpop (xrf1);
	_ =	sdelay $0x3  }
0xbd: {  	v1 =	vcvt.s32.f32 v1;
	_ =	sdelay $0x1  }
0xbe: {  	[tilespmem:v0+s20+$0x0] =	vst.idx.add.f32.msk vm0, v1  }
0xbf: {  	v0 =	vld [tilespmem:s19+$0xF850];
	_ =	sdelay $0x4  }
0xc0: {  	(xrf1) =	vunique.msk.u32 $0xffff, v0;
	_ =	sdelay $0xd  }
0xc1: {  	_, v1, vm0 =	vpop (xrf1);
	_ =	sdelay $0x3  }
0xc2: {  	v1 =	vcvt.s32.f32 v1;
	_ =	sdelay $0x1  }
0xc3: {  	[tilespmem:v0+s21+$0x0] =	vst.idx.add.f32.msk vm0, v1  }
0xc4: {  	v0 =	vld [tilespmem:s19+$0xD0E0];
	_ =	sdelay $0x4  }
0xc5: {  	(xrf1) =	vunique.msk.u32 $0xffff, v0;
	_ =	sdelay $0xd  }
0xc6: {  	_, v1, vm0 =	vpop (xrf1);
	_ =	sdelay $0x3  }
0xc7: {  	v1 =	vcvt.s32.f32 v1;
	_ =	sdelay $0x1  }
0xc8: {  	[tilespmem:v0+s20+$0x0] =	vst.idx.add.f32.msk vm0, v1  }
0xc9: {  	v0 =	vld [tilespmem:s19+$0xF860];
	_ =	sdelay $0x4  }
0xca: {  	(xrf1) =	vunique.msk.u32 $0xffff, v0;
	_ =	sdelay $0xd  }
0xcb: {  	_, v1, vm0 =	vpop (xrf1);
	_ =	sdelay $0x3  }
0xcc: {  	v1 =	vcvt.s32.f32 v1;
	_ =	sdelay $0x1  }
0xcd: {  	[tilespmem:v0+s21+$0x0] =	vst.idx.add.f32.msk vm0, v1  }
0xce: {  	v0 =	vld [tilespmem:s19+$0xD0F0];
	_ =	sdelay $0x4  }
0xcf: {  	(xrf1) =	vunique.msk.u32 $0xffff, v0;
	_ =	sdelay $0xd  }
0xd0: {  	_, v1, vm0 =	vpop (xrf1);
	_ =	sdelay $0x3  }
0xd1: {  	v1 =	vcvt.s32.f32 v1;
	_ =	sdelay $0x1  }
0xd2: {  	[tilespmem:v0+s20+$0x0] =	vst.idx.add.f32.msk vm0, v1  }
0xd3: {  	v0 =	vld [tilespmem:s19+$0xF870];
	_ =	sdelay $0x4  }
0xd4: {  	(xrf1) =	vunique.msk.u32 $0xffff, v0;
	_ =	sdelay $0xd  }
0xd5: {  	_, v1, vm0 =	vpop (xrf1);
	_ =	sdelay $0x3  }
0xd6: {  	v1 =	vcvt.s32.f32 v1;
	_ =	sdelay $0x1  }
0xd7: {  	[tilespmem:v0+s21+$0x0] =	vst.idx.add.f32.msk vm0, v1  }
0xd8: {  	_ =	swait.ge [sflag:s28], $0x3E80  }
0xd9: {  	[sflag:s28] =	ssyncset.done $0x0  }
0xda: {  	s30 =	sadd.s32 $0x2800, s19;
	[sflag:s28] =	ssyncadd.s32 $0xFFFFC180  }
0xdb: {  	[spmem:s3] =	stream.indirect.scatter.add.f32 [tilespmem:s24], [sflag:$0x3], $0x80, s30, s23, $0xb8;
	[tilespmem:$0x18E80] =	vst v63  }
0xdc: {  	_ =	swait.ge [sflag:s16], $0x3E80  }
0xdd: {  	[sflag:s16] =	ssyncset.done $0x0  }
0xde: {  	s30 =	sadd.s32 $0x100, s19;
	[sflag:s16] =	ssyncadd.s32 $0xFFFFC180  }
0xdf: {  	[tilespmem:s24], [sflag:$0x1] =	stream.indirect.gather [hbm4b:s1+s23], $0x80, s30, s23, $0xb8;
	[tilespmem:$0x18E80] =	vst v63  }
0xe0: {  	_ =	swait.ge [sflag:s29], $0x3E80  }
0xe1: {  	[sflag:s29] =	ssyncset.done $0x0  }
0xe2: {  	p0 =	sne.s32 s18, $0x9800;
	s30 =	sadd.s32 $0x2880, s19;
	[sflag:s29] =	ssyncadd.s32 $0xFFFFC180  }
0xe3: {  	[spmem:s3] =	stream.indirect.scatter.add.f32 [tilespmem:s26], [sflag:$0x3], $0x80, s30, s23, $0xb8;
	[tilespmem:$0x18E80] =	vst v63  }
.Ltmp0:
0xe4: {  	_ = 	snop;
	(pc) =	sbr.rel @p0 .LBB2_2-.Ltmp0, $4  }
0xe5: {  	_ =	swait.ge [sflag:s16], $0x3E80  }
0xe6: {  	[sflag:s16] =	ssyncset.done $0x0  }
0xe7: {  	s18 =	sadd.s32 $0x400, s18;
	s19 =	sadd.s32 $0x180, s19;
	[sflag:s16] =	ssyncadd.s32 $0xFFFFC180  }
0xe8: {  	[tilespmem:s26], [sflag:$0x2] =	stream.indirect.gather [hbm4b:s1+s23], $0x80, s19, s23, $0xb8;
	[tilespmem:$0x18E80] =	vst v63  }
0xe9: {  	_ =	swait.ge [sflag:s28], $0x3E80  }
0xea: {  	[sflag:s28] =	ssyncset.done $0x0  }
0xeb: {  	s18 =	simm.s32 $0x4F00;
	[sflag:s28] =	ssyncadd.s32 $0xFFFFC180  }
0xec: {  	[spmem:s3] =	stream.indirect.scatter.add.f32 [tilespmem:s24], [sflag:$0x3], $0x80, s18, s23, $0xb8;
	[tilespmem:$0x18E80] =	vst v63  }
0xed: {  	_ =	swait.ge [sflag:s16], $0x3E80  }
0xee: {  	[sflag:s16] =	ssyncset.done $0x0  }
0xef: {  	[sflag:s16] =	ssyncadd.s32 $0xFFFFC180  }
0xf0: {  	_ =	swait.ge [sflag:s29], $0x3E80  }
0xf1: {  	[sflag:s29] =	ssyncset.done $0x0  }
0xf2: {  	[sflag:s29] =	ssyncadd.s32 $0xFFFFC180  }
0xf3: {  	[spmem:s3] =	stream.indirect.scatter.add.f32 [tilespmem:s26], [sflag:$0x3], $0x80, s31, s23, $0xb8;
	[tilespmem:$0x18E80] =	vst v63  }
0xf4: {  	_ =	swait.ge [sflag:s16], $0x3E80  }
0xf5: {  	[sflag:s16] =	ssyncset.done $0x0  }
0xf6: {  	[sflag:s16] =	ssyncadd.s32 $0xFFFFC180  }
0xf7: {  	v0 =	vld [tilespmem:$0xF700];
	_ =	sdelay $0x4  }
0xf8: {  	(xrf1) =	vunique.msk.u32 $0xffff, v0;
	_ =	sdelay $0xd  }
0xf9: {  	_, v1, vm0 =	vpop (xrf1);
	_ =	sdelay $0x3  }
0xfa: {  	v1 =	vcvt.s32.f32 v1;
	_ =	sdelay $0x1  }
0xfb: {  	[tilespmem:v0+s20+$0x0] =	vst.idx.add.f32.msk vm0, v1  }
0xfc: {  	v0 =	vld [tilespmem:$0x11E80];
	_ =	sdelay $0x4  }
0xfd: {  	(xrf1) =	vunique.msk.u32 $0xffff, v0;
	_ =	sdelay $0xd  }
0xfe: {  	_, v1, vm0 =	vpop (xrf1);
	_ =	sdelay $0x3  }
0xff: {  	v1 =	vcvt.s32.f32 v1;
	_ =	sdelay $0x1  }
0x100: {  	[tilespmem:v0+s21+$0x0] =	vst.idx.add.f32.msk vm0, v1  }
0x101: {  	[hbm4b:s12+s25] =	stream.strided.scatter [tilespmem:s20], [sflag:$0x3], $0x2780, s2, s25, $0x38;
	[tilespmem:$0x18E80] =	vst v63  }
0x102: {  	_ =	swait.ge [sflag:s16], $0x2780  }
0x103: {  	[sflag:s16] =	ssyncset.done $0x0  }
0x104: {  	[sflag:s16] =	ssyncadd.s32 $0xFFFFD880  }
0x105: {  	[hbm4b:s13+s25] =	stream.strided.scatter [tilespmem:s21], [sflag:$0x3], $0x800, s2, s25, $0x38;
	[tilespmem:$0x18E80] =	vst v63  }
0x106: {  	_ =	swait.ge [sflag:s16], $0x800  }
0x107: {  	s0 =	sadd.s32 $0x1, s0;
	[sflag:s16] =	ssyncset.done $0x0  }
0x108: {  	p0 =	sne.s32 s0, s15;
	[sflag:s16] =	ssyncadd.s32 $0xFFFFF800  }
.Ltmp1:
0x109: {  	[bflag:$0x0] =	sbarrier.arrive $0xFFFF;
	(pc) =	sbr.rel @p0 .LBB2_1-.Ltmp1, $4  }
0x10a: {  	[hbm:s14], [sflag:s22] =	dma.local [spmem:s17], $0x800  }
0x10b: {  	_ =	swait.ge [sflag:s16], $0x800  }
0x10c: {  	[sflag:s16] =	ssyncset.done $0x0  }
0x10d: {  	[sflag:s16] =	ssyncadd.s32 $0xFFFFF800  }
0x10e: {  	_ =	sfence.sel $0x180000  }
0x10f: {  	[bflag:$0x0] =	sbarrier.arrive $0xFFFF  }
0x110: {  	_ =	strace $0x90000047  }
0x111: {  	s0 =	stileid.u32;
	[bflag:$0x2] =	sbarrier.arrive $0xFFFF  }
0x112: {  	p0 =	sne.s32 s0, $0x0;
	s0 =	rddreg [dreg:$0x5]  }
0x113: {  	s0 =	sadd.s32 @!p0 $0x100000, s0  }
0x114: {  	[sflag:s0] =	ssyncadd.tile.s32 @!p0 $0x1;
	_ =	shalt  }
.Lfunc_end2:
_tile_overlayer_lowered:
.L_overlay_start_2:
0x115: {  	(tag) =	ssettag $0x2  }
0x116: {  	s0 =	rddreg [dreg:$0x0];
	s2 =	stileid.u32  }
0x117: {  	s1 =	rddreg [dreg:$0x1];
	p0 =	sne.s32 s2, $0x0  }
0x118: {  	s3 =	rddreg [dreg:$0x2];
	[bflag:$0x3] =	sbarrier.arrive $0xFFFF;
	s2 =	simm.s32 @!p0 $0x1C03  }
0x119: {  	[timem:s3], [sflag:s2] =	dma.local @!p0 [hbm:s0], s1  }
0x11a: {  	s0 =	simm.s32 @!p0 $0x3  }
0x11b: {  	_ =	swait.ge @!p0 [sflag:s0], s1  }
0x11c: {  	s1 =	ssub.s32 @!p0 $0x0, s1;
	[sflag:s0] =	ssyncset.done @!p0 $0x0  }
0x11d: {  	[sflag:s0] =	ssyncadd.s32 @!p0 s1  }
0x11e: {  	[bflag:$0x3] =	sbarrier.arrive $0xFFFF  }
0x11f: {  	_ =	shalt  }

</sc_bundles>
